<compile_context>
chip_gen: v7x
topology: tpu7x:2x2x1
jax: 0.10.2.dev20260603
libtpu: 0.0.44.dev20260713+nightly
codegen_flags: <defaults>
</compile_context>

<pallas_src>
import functools

import jax
import jax.numpy as jnp
from jax import lax
from jax.experimental import pallas as pl
from jax.experimental.pallas import tpu as pltpu
from jax.experimental.pallas import tpu_sc as plsc

N = 10000
E = 320000
D = 128
LAYERS = 3
NC = 2
NS = 16
NW = NC * NS
CH = 128
CHUNKS = E // CH
NP = 10240
SRP = NP // NS


@functools.lru_cache(maxsize=None)
def _sc_kernels():
    mesh = plsc.VectorSubcoreMesh(core_axis_name="c", subcore_axis_name="s",
                                  num_cores=NC, num_subcores=NS)

    @functools.partial(
        pl.kernel,
        out_type=jax.ShapeDtypeStruct((NC, NP, D), jnp.float32),
        mesh=mesh,
        scratch_types=[
            pltpu.VMEM_SHARED((NP, D), jnp.float32),
            pltpu.VMEM((CH,), jnp.int32),
            pltpu.VMEM((CH,), jnp.int32),
            pltpu.VMEM((CH, D), jnp.float32),
            pltpu.SemaphoreType.DMA,
        ],
    )
    def sc_agg(vals_hbm, src_hbm, dst_hbm, zero_hbm, out_hbm,
               acc, sidx, didx, rows, sem):
        c = lax.axis_index("c")
        s = lax.axis_index("s")
        k = c * NS + s
        pltpu.sync_copy(zero_hbm.at[pl.ds(s * SRP, SRP)],
                        acc.at[pl.ds(s * SRP, SRP)])
        plsc.subcore_barrier()
        lo = (k * CHUNKS) // NW
        hi = ((k + 1) * CHUNKS) // NW

        def step(j, carry):
            pltpu.sync_copy(src_hbm.at[pl.ds(j * CH, CH)], sidx)
            pltpu.sync_copy(dst_hbm.at[pl.ds(j * CH, CH)], didx)
            pltpu.async_copy(vals_hbm.at[sidx], rows, sem).wait()
            pltpu.sync_copy(rows, acc.at[didx], add=True)
            return carry

        lax.fori_loop(lo, hi, step, 0)
        plsc.subcore_barrier()
        pltpu.sync_copy(acc.at[pl.ds(s * SRP, SRP)],
                        out_hbm.at[c, pl.ds(s * SRP, SRP)])

    @functools.partial(
        pl.kernel,
        out_type=jax.ShapeDtypeStruct((NC, NP, D), jnp.float32),
        mesh=mesh,
        scratch_types=[
            pltpu.VMEM_SHARED((NP, D), jnp.float32),
            pltpu.VMEM((CH,), jnp.int32),
            pltpu.VMEM((CH, D), jnp.float32),
        ],
    )
    def sc_deg(dst_hbm, zero_hbm, out_hbm, acc, didx, ones):
        c = lax.axis_index("c")
        s = lax.axis_index("s")
        k = c * NS + s

        def fill(j, carry):
            ones[j, pl.ds(0, 16)] = jnp.ones((16,), jnp.float32)
            return carry

        lax.fori_loop(0, CH, fill, 0)
        pltpu.sync_copy(zero_hbm.at[pl.ds(s * SRP, SRP)],
                        acc.at[pl.ds(s * SRP, SRP)])
        plsc.subcore_barrier()
        lo = (k * CHUNKS) // NW
        hi = ((k + 1) * CHUNKS) // NW

        def step(j, carry):
            pltpu.sync_copy(dst_hbm.at[pl.ds(j * CH, CH)], didx)
            pltpu.sync_copy(ones, acc.at[didx], add=True)
            return carry

        lax.fori_loop(lo, hi, step, 0)
        plsc.subcore_barrier()
        pltpu.sync_copy(acc.at[pl.ds(s * SRP, SRP)],
                        out_hbm.at[c, pl.ds(s * SRP, SRP)])

    return sc_agg, sc_deg


def _dot(a, b):
    return lax.dot_general(a, b, (((1,), (0,)), ((), ())),
                           precision=lax.Precision.HIGHEST,
                           preferred_element_type=jnp.float32)


def _enc_body(x_ref, w_ref, b_ref, o_ref):
    o_ref[...] = jnp.maximum(_dot(x_ref[...], w_ref[...]) + b_ref[...], 0.0)


_enc = pl.pallas_call(
    _enc_body, out_shape=jax.ShapeDtypeStruct((N, D), jnp.float32))


def _layer_body(residual, h_ref, p_ref, degp_ref, w1h_ref, w1a_ref, b1_ref,
                w2_ref, b2_ref, o_ref):
    deg = degp_ref[0, :N, 0:1] + degp_ref[1, :N, 0:1]
    inv = 1.0 / jnp.maximum(deg, 1.0)
    agg = (p_ref[0, :N] + p_ref[1, :N]) * inv
    z = jnp.maximum(_dot(h_ref[...], w1h_ref[...]) +
                    _dot(agg, w1a_ref[...]) + b1_ref[...], 0.0)
    hn = jnp.maximum(_dot(z, w2_ref[...]) + b2_ref[...], 0.0)
    if residual:
        hn = hn + h_ref[...]
    o_ref[...] = hn


_layer_first = pl.pallas_call(
    functools.partial(_layer_body, False),
    out_shape=jax.ShapeDtypeStruct((N, D), jnp.float32))
_layer_res = pl.pallas_call(
    functools.partial(_layer_body, True),
    out_shape=jax.ShapeDtypeStruct((N, D), jnp.float32))


def _head_body(h_ref, w_ref, b_ref, o_ref):
    pooled = jnp.mean(h_ref[...], axis=0, keepdims=True)
    o_ref[...] = _dot(pooled, w_ref[...]) + b_ref[...]


_head = pl.pallas_call(
    _head_body, out_shape=jax.ShapeDtypeStruct((1, D), jnp.float32))


def kernel(x, edge_index, enc_W, enc_b, conv_W1, conv_b1, conv_W2, conv_b2,
           head_W, head_b):
    ei = edge_index.astype(jnp.int32)
    src1 = ei[0]
    dst1 = ei[1]
    zero_d = jnp.zeros((NP, D), jnp.float32)

    sc_agg, sc_deg = _sc_kernels()
    h = _enc(x, enc_W, enc_b.reshape(1, D))
    degp = sc_deg(dst1, zero_d)
    for i in range(LAYERS):
        part = sc_agg(h, src1, dst1, zero_d)
        layer = _layer_first if i == 0 else _layer_res
        h = layer(h, part, degp,
                  conv_W1[i, :D], conv_W1[i, D:], conv_b1[i].reshape(1, -1),
                  conv_W2[i], conv_b2[i].reshape(1, -1))
    out = _head(h, head_W, head_b.reshape(1, D))
    return out.reshape(D)

# --- scband reference (transcript-rebuilt; emitter-appended) ---
"""Pipeline reference for scband-swgnn-32916629357423 (READ-ONLY COPY).

The authoritative reference and input builder live on the scoring server;
editing this copy changes nothing except your own understanding.
"""

import jax, jax.numpy as jnp
import numpy as np

N = 10000
E = 320000
D_IN = 128
DIM_INNER = 128
MLP_HIDDEN = 128
LAYERS_MP = 3
DIM_OUT = 128


def setup_inputs(seed: int = 0) -> dict:
    key = jax.random.key(seed)
    ks = jax.random.split(key, 16)
    x = jax.random.normal(ks[0], (N, D_IN), dtype=jnp.float32)
    edge_index = jax.random.randint(ks[1], (2, E), 0, N, dtype=jnp.int64)
    # node encoder (FeatureEncoder -> linear)
    enc_W = jax.random.normal(ks[2], (D_IN, DIM_INNER), dtype=jnp.float32) * (1.0 / np.sqrt(D_IN))
    enc_b = jnp.zeros((DIM_INNER,), dtype=jnp.float32)
    # per-layer FSW_conv MLPs (concat_self=True -> input is 2*DIM_INNER)
    conv_W1 = jax.random.normal(ks[3], (LAYERS_MP, 2 * DIM_INNER, MLP_HIDDEN), dtype=jnp.float32) * (1.0 / np.sqrt(2 * DIM_INNER))
    conv_b1 = jnp.zeros((LAYERS_MP, MLP_HIDDEN), dtype=jnp.float32)
    conv_W2 = jax.random.normal(ks[4], (LAYERS_MP, MLP_HIDDEN, DIM_INNER), dtype=jnp.float32) * (1.0 / np.sqrt(MLP_HIDDEN))
    conv_b2 = jnp.zeros((LAYERS_MP, DIM_INNER), dtype=jnp.float32)
    # graph head (mlp_graph)
    head_W = jax.random.normal(ks[5], (DIM_INNER, DIM_OUT), dtype=jnp.float32) * (1.0 / np.sqrt(DIM_INNER))
    head_b = jnp.zeros((DIM_OUT,), dtype=jnp.float32)
    return {"x": x, "edge_index": edge_index, "enc_W": enc_W, "enc_b": enc_b,
            "conv_W1": conv_W1, "conv_b1": conv_b1, "conv_W2": conv_W2, "conv_b2": conv_b2,
            "head_W": head_W, "head_b": head_b}


def reference(x, edge_index, enc_W, enc_b, conv_W1, conv_b1, conv_W2, conv_b2, head_W, head_b):
    # node encoder
    h = jax.nn.relu(x @ enc_W + enc_b)
    src = edge_index[0]
    dst = edge_index[1]
    deg = jax.ops.segment_sum(jnp.ones((E,), dtype=jnp.float32), dst, num_segments=N)
    deg = jnp.maximum(deg, 1.0)
    for i in range(LAYERS_MP):
        res = h
        msg = jnp.take(h, src, axis=0)                       # gather over edges
        agg = jax.ops.segment_sum(msg, dst, num_segments=N)  # scatter-add by dst
        agg = agg / deg[:, None]
        z = jnp.concatenate([h, agg], axis=-1)               # concat_self
        z = jax.nn.relu(z @ conv_W1[i] + conv_b1[i])
        h = jax.nn.relu(z @ conv_W2[i] + conv_b2[i])
        if i > 0:
            h = h + res                                      # residual (skip_connections)
    # mlp_graph head: mean pool over nodes (single graph) + linear
    pooled = jnp.mean(h, axis=0)
    out = pooled @ head_W + head_b
    return out

if __name__ == "__main__":
    import jax
    _d = setup_inputs()
    print(jax.jit(kernel)(*tuple(_d.values())))

</pallas_src>

<mosaic_0001>
#map = affine_map<(d0, d1) -> (0, 0)>
#map1 = affine_map<(d0, d1) -> (0)>
#map2 = affine_map<(d0, d1) -> (0, 0, 0)>
module attributes {stable_mosaic.version = 14 : i64} {
  func.func @sc_agg(%arg0: i32, %arg1: i32, %arg2: memref<10000x128xf32, #tpu.memory_space<hbm>>, %arg3: memref<320000xi32, #tpu.memory_space<hbm>>, %arg4: memref<320000xi32, #tpu.memory_space<hbm>>, %arg5: memref<10240x128xf32, #tpu.memory_space<hbm>>, %arg6: memref<2x10240x128xf32, #tpu.memory_space<hbm>>, %arg7: memref<10240x128xf32, #tpu.memory_space<vmem_shared>>, %arg8: memref<128xi32, #tpu.memory_space<vmem>>, %arg9: memref<128xi32, #tpu.memory_space<vmem>>, %arg10: memref<128x128xf32, #tpu.memory_space<vmem>>, %arg11: memref<!tpu.dma_semaphore, #tpu.memory_space<semaphore_mem>>) attributes {dimension_semantics = [#tpu.dimension_semantics<core_parallel>, #tpu.dimension_semantics<subcore_parallel>], iteration_bounds = array<i64: 2, 16>, scalar_prefetch = 0 : i64, scratch_operands = 5 : i64, tpu.core_type = #tpu.core_type<sc_vector_subcore>, window_params = [{transform_indices = #map}, {transform_indices = #map1}, {transform_indices = #map1}, {transform_indices = #map}, {transform_indices = #map2}]} {
    %mul3A = arith.constant 16 : i32
    %mul3A_0 = arith.muli %arg0, %mul3A : i32
    %add3A = arith.addi %mul3A_0, %arg1 : i32
    %mul3A_1 = arith.constant 640 : i32
    %mul3A_2 = arith.muli %arg1, %mul3A_1 : i32
    %mul3A_3 = arith.constant 640 : i32
    %mul3A_4 = arith.muli %arg1, %mul3A_3 : i32
    "tpu.region"() ({
      %run_scoped3A = tpu.sem_alloc : memref<!tpu.dma_semaphore, #tpu.memory_space<semaphore_mem>>
      %dma_start3A = arith.constant 0 : i32
      %dma_start3A_64 = tpu.memref_slice %arg7[%mul3A_4, %dma_start3A] : memref<10240x128xf32, #tpu.memory_space<vmem_shared>> -> memref<640x128xf32, #tpu.memory_space<vmem_shared>>
      %dma_start3A_65 = arith.constant 0 : i32
      %dma_start3A_66 = tpu.memref_slice %arg5[%mul3A_2, %dma_start3A_65] : memref<10240x128xf32, #tpu.memory_space<hbm>> -> memref<640x128xf32, #tpu.memory_space<hbm>>
      tpu.enqueue_dma source(%dma_start3A_66 : memref<640x128xf32, #tpu.memory_space<hbm>>) target(%dma_start3A_64 : memref<640x128xf32, #tpu.memory_space<vmem_shared>>) target_semaphore(%run_scoped3A : memref<!tpu.dma_semaphore, #tpu.memory_space<semaphore_mem>>)
      %dma_wait3A = arith.constant 0 : i32
      %dma_wait3A_67 = tpu.memref_slice %arg7[%mul3A_4, %dma_wait3A] : memref<10240x128xf32, #tpu.memory_space<vmem_shared>> -> memref<640x128xf32, #tpu.memory_space<vmem_shared>>
      %dma_wait3A_68 = arith.constant 0 : i32
      %dma_wait3A_69 = tpu.memref_slice %arg5[%mul3A_2, %dma_wait3A_68] : memref<10240x128xf32, #tpu.memory_space<hbm>> -> memref<640x128xf32, #tpu.memory_space<hbm>>
      tpu.wait_dma2 semaphore(%run_scoped3A : memref<!tpu.dma_semaphore, #tpu.memory_space<semaphore_mem>>) src(%dma_wait3A_69 : memref<640x128xf32, #tpu.memory_space<hbm>>) dst(%dma_wait3A_67 : memref<640x128xf32, #tpu.memory_space<vmem_shared>>)
      tpu.yield
    }) : () -> ()
    %barrier3A = arith.constant 0 : index
    tpu.barrier barrier_id(%barrier3A)
    %mul3A_5 = arith.constant 2500 : i32
    %mul3A_6 = arith.muli %add3A, %mul3A_5 : i32
    %jit3A = arith.constant 32 : i32
    %div3A = arith.divsi %mul3A_6, %jit3A : i32
    %sign3A = arith.constant 0 : i32
    %sign3A_7 = arith.cmpi sgt, %mul3A_6, %sign3A : i32
    %sign3A_8 = arith.extui %sign3A_7 : i1 to i32
    %sign3A_9 = arith.constant 0 : i32
    %sign3A_10 = arith.cmpi slt, %mul3A_6, %sign3A_9 : i32
    %sign3A_11 = arith.extui %sign3A_10 : i1 to i32
    %sign3A_12 = arith.subi %sign3A_8, %sign3A_11 : i32
    %sign3A_13 = arith.constant 0 : i32
    %sign3A_14 = arith.cmpi sgt, %jit3A, %sign3A_13 : i32
    %sign3A_15 = arith.extui %sign3A_14 : i1 to i32
    %sign3A_16 = arith.constant 0 : i32
    %sign3A_17 = arith.cmpi slt, %jit3A, %sign3A_16 : i32
    %sign3A_18 = arith.extui %sign3A_17 : i1 to i32
    %sign3A_19 = arith.subi %sign3A_15, %sign3A_18 : i32
    %ne3A = arith.cmpi ne, %sign3A_12, %sign3A_19 : i32
    %rem3A = arith.remsi %mul3A_6, %jit3A : i32
    %ne3A_20 = arith.constant 0 : i32
    %ne3A_21 = arith.cmpi ne, %rem3A, %ne3A_20 : i32
    %and3A = arith.andi %ne3A, %ne3A_21 : i1
    %sub3A = arith.constant 1 : i32
    %sub3A_22 = arith.subi %div3A, %sub3A : i32
    %select_n3A = arith.select %and3A, %sub3A_22, %div3A : i32
    %add3A_23 = arith.constant 1 : i32
    %add3A_24 = arith.addi %add3A, %add3A_23 : i32
    %mul3A_25 = arith.constant 2500 : i32
    %mul3A_26 = arith.muli %add3A_24, %mul3A_25 : i32
    %jit3A_27 = arith.constant 32 : i32
    %div3A_28 = arith.divsi %mul3A_26, %jit3A_27 : i32
    %sign3A_29 = arith.constant 0 : i32
    %sign3A_30 = arith.cmpi sgt, %mul3A_26, %sign3A_29 : i32
    %sign3A_31 = arith.extui %sign3A_30 : i1 to i32
    %sign3A_32 = arith.constant 0 : i32
    %sign3A_33 = arith.cmpi slt, %mul3A_26, %sign3A_32 : i32
    %sign3A_34 = arith.extui %sign3A_33 : i1 to i32
    %sign3A_35 = arith.subi %sign3A_31, %sign3A_34 : i32
    %sign3A_36 = arith.constant 0 : i32
    %sign3A_37 = arith.cmpi sgt, %jit3A_27, %sign3A_36 : i32
    %sign3A_38 = arith.extui %sign3A_37 : i1 to i32
    %sign3A_39 = arith.constant 0 : i32
    %sign3A_40 = arith.cmpi slt, %jit3A_27, %sign3A_39 : i32
    %sign3A_41 = arith.extui %sign3A_40 : i1 to i32
    %sign3A_42 = arith.subi %sign3A_38, %sign3A_41 : i32
    %ne3A_43 = arith.cmpi ne, %sign3A_35, %sign3A_42 : i32
    %rem3A_44 = arith.remsi %mul3A_26, %jit3A_27 : i32
    %ne3A_45 = arith.constant 0 : i32
    %ne3A_46 = arith.cmpi ne, %rem3A_44, %ne3A_45 : i32
    %and3A_47 = arith.andi %ne3A_43, %ne3A_46 : i1
    %sub3A_48 = arith.constant 1 : i32
    %sub3A_49 = arith.subi %div3A_28, %sub3A_48 : i32
    %select_n3A_50 = arith.select %and3A_47, %sub3A_49, %div3A_28 : i32
    %while3A = arith.constant 0 : i32
    %while3A_51 = arith.subi %select_n3A_50, %select_n3A : i32
    %while3A_52 = arith.addi %select_n3A, %while3A_51 : i32
    %while3A_53 = arith.constant 1 : i32
    %while3A_54 = arith.divsi %while3A_51, %while3A_53 : i32
    %while3A_55 = arith.muli %while3A_54, %while3A_53 : i32
    %while3A_56 = arith.addi %select_n3A, %while3A_55 : i32
    %while3A_57 = arith.constant 1 : i32
    scf.for %while3A_64 = %select_n3A to %while3A_56 step %while3A_57  : i32 {
      %mul3A_65 = arith.constant 128 : i32
      %mul3A_66 = arith.muli %while3A_64, %mul3A_65 : i32
      "tpu.region"() ({
        %run_scoped3A = tpu.sem_alloc : memref<!tpu.dma_semaphore, #tpu.memory_space<semaphore_mem>>
        %dma_start3A_73 = tpu.memref_slice %arg3[%mul3A_66] : memref<320000xi32, #tpu.memory_space<hbm>> -> memref<128xi32, #tpu.memory_space<hbm>>
        %dma_start3A_74 = tpu.memref_slice %arg3[%mul3A_66] : memref<320000xi32, #tpu.memory_space<hbm>> -> memref<128xi32, #tpu.memory_space<hbm>>
        tpu.enqueue_dma source(%dma_start3A_74 : memref<128xi32, #tpu.memory_space<hbm>>) target(%arg8 : memref<128xi32, #tpu.memory_space<vmem>>) target_semaphore(%run_scoped3A : memref<!tpu.dma_semaphore, #tpu.memory_space<semaphore_mem>>)
        %dma_wait3A_75 = tpu.memref_slice %arg3[%mul3A_66] : memref<320000xi32, #tpu.memory_space<hbm>> -> memref<128xi32, #tpu.memory_space<hbm>>
        %dma_wait3A_76 = tpu.memref_slice %arg3[%mul3A_66] : memref<320000xi32, #tpu.memory_space<hbm>> -> memref<128xi32, #tpu.memory_space<hbm>>
        tpu.wait_dma2 semaphore(%run_scoped3A : memref<!tpu.dma_semaphore, #tpu.memory_space<semaphore_mem>>) src(%dma_wait3A_76 : memref<128xi32, #tpu.memory_space<hbm>>) dst(%arg8 : memref<128xi32, #tpu.memory_space<vmem>>)
        tpu.yield
      }) : () -> ()
      %mul3A_67 = arith.constant 128 : i32
      %mul3A_68 = arith.muli %while3A_64, %mul3A_67 : i32
      "tpu.region"() ({
        %run_scoped3A = tpu.sem_alloc : memref<!tpu.dma_semaphore, #tpu.memory_space<semaphore_mem>>
        %dma_start3A_73 = tpu.memref_slice %arg4[%mul3A_68] : memref<320000xi32, #tpu.memory_space<hbm>> -> memref<128xi32, #tpu.memory_space<hbm>>
        %dma_start3A_74 = tpu.memref_slice %arg4[%mul3A_68] : memref<320000xi32, #tpu.memory_space<hbm>> -> memref<128xi32, #tpu.memory_space<hbm>>
        tpu.enqueue_dma source(%dma_start3A_74 : memref<128xi32, #tpu.memory_space<hbm>>) target(%arg9 : memref<128xi32, #tpu.memory_space<vmem>>) target_semaphore(%run_scoped3A : memref<!tpu.dma_semaphore, #tpu.memory_space<semaphore_mem>>)
        %dma_wait3A_75 = tpu.memref_slice %arg4[%mul3A_68] : memref<320000xi32, #tpu.memory_space<hbm>> -> memref<128xi32, #tpu.memory_space<hbm>>
        %dma_wait3A_76 = tpu.memref_slice %arg4[%mul3A_68] : memref<320000xi32, #tpu.memory_space<hbm>> -> memref<128xi32, #tpu.memory_space<hbm>>
        tpu.wait_dma2 semaphore(%run_scoped3A : memref<!tpu.dma_semaphore, #tpu.memory_space<semaphore_mem>>) src(%dma_wait3A_76 : memref<128xi32, #tpu.memory_space<hbm>>) dst(%arg9 : memref<128xi32, #tpu.memory_space<vmem>>)
        tpu.yield
      }) : () -> ()
      %dma_start3A = arith.constant 0 : i32
      %dma_start3A_69 = arith.constant 0 : i32
      %dma_start3A_70 = tpu.memref_slice %arg2[%dma_start3A, %dma_start3A_69] : memref<10000x128xf32, #tpu.memory_space<hbm>> -> memref<10000x128xf32, #tpu.memory_space<hbm>>
      tpu.enqueue_indirect_dma source(%dma_start3A_70 : memref<10000x128xf32, #tpu.memory_space<hbm>>) target(%arg10 : memref<128x128xf32, #tpu.memory_space<vmem>>) offsets(%arg8 : memref<128xi32, #tpu.memory_space<vmem>>) semaphore(%arg11 : memref<!tpu.dma_semaphore, #tpu.memory_space<semaphore_mem>>)
      %dma_wait3A = arith.constant 0 : i32
      %dma_wait3A_71 = arith.constant 0 : i32
      %dma_wait3A_72 = tpu.memref_slice %arg2[%dma_wait3A, %dma_wait3A_71] : memref<10000x128xf32, #tpu.memory_space<hbm>> -> memref<10000x128xf32, #tpu.memory_space<hbm>>
      tpu.wait_indirect_dma semaphore(%arg11 : memref<!tpu.dma_semaphore, #tpu.memory_space<semaphore_mem>>) src(%dma_wait3A_72 : memref<10000x128xf32, #tpu.memory_space<hbm>>) dst(%arg10 : memref<128x128xf32, #tpu.memory_space<vmem>>)
      "tpu.region"() ({
        %run_scoped3A = tpu.sem_alloc : memref<!tpu.dma_semaphore, #tpu.memory_space<semaphore_mem>>
        %dma_start3A_73 = arith.constant 0 : i32
        %dma_start3A_74 = arith.constant 0 : i32
        %dma_start3A_75 = tpu.memref_slice %arg7[%dma_start3A_73, %dma_start3A_74] : memref<10240x128xf32, #tpu.memory_space<vmem_shared>> -> memref<10240x128xf32, #tpu.memory_space<vmem_shared>>
        tpu.enqueue_indirect_dma source(%arg10 : memref<128x128xf32, #tpu.memory_space<vmem>>) target(%dma_start3A_75 : memref<10240x128xf32, #tpu.memory_space<vmem_shared>>) offsets(%arg9 : memref<128xi32, #tpu.memory_space<vmem>>) semaphore(%run_scoped3A : memref<!tpu.dma_semaphore, #tpu.memory_space<semaphore_mem>>) {add = true}
        %dma_wait3A_76 = arith.constant 0 : i32
        %dma_wait3A_77 = arith.constant 0 : i32
        %dma_wait3A_78 = tpu.memref_slice %arg7[%dma_wait3A_76, %dma_wait3A_77] : memref<10240x128xf32, #tpu.memory_space<vmem_shared>> -> memref<10240x128xf32, #tpu.memory_space<vmem_shared>>
        tpu.wait_indirect_dma semaphore(%run_scoped3A : memref<!tpu.dma_semaphore, #tpu.memory_space<semaphore_mem>>) src(%arg10 : memref<128x128xf32, #tpu.memory_space<vmem>>) dst(%dma_wait3A_78 : memref<10240x128xf32, #tpu.memory_space<vmem_shared>>)
        tpu.yield
      }) : () -> ()
    }
    %while3A_58 = arith.constant 1 : i32
    scf.for %while3A_64 = %while3A_56 to %while3A_52 step %while3A_58  : i32 {
      %mul3A_65 = arith.constant 128 : i32
      %mul3A_66 = arith.muli %while3A_64, %mul3A_65 : i32
      "tpu.region"() ({
        %run_scoped3A = tpu.sem_alloc : memref<!tpu.dma_semaphore, #tpu.memory_space<semaphore_mem>>
        %dma_start3A_73 = tpu.memref_slice %arg3[%mul3A_66] : memref<320000xi32, #tpu.memory_space<hbm>> -> memref<128xi32, #tpu.memory_space<hbm>>
        %dma_start3A_74 = tpu.memref_slice %arg3[%mul3A_66] : memref<320000xi32, #tpu.memory_space<hbm>> -> memref<128xi32, #tpu.memory_space<hbm>>
        tpu.enqueue_dma source(%dma_start3A_74 : memref<128xi32, #tpu.memory_space<hbm>>) target(%arg8 : memref<128xi32, #tpu.memory_space<vmem>>) target_semaphore(%run_scoped3A : memref<!tpu.dma_semaphore, #tpu.memory_space<semaphore_mem>>)
        %dma_wait3A_75 = tpu.memref_slice %arg3[%mul3A_66] : memref<320000xi32, #tpu.memory_space<hbm>> -> memref<128xi32, #tpu.memory_space<hbm>>
        %dma_wait3A_76 = tpu.memref_slice %arg3[%mul3A_66] : memref<320000xi32, #tpu.memory_space<hbm>> -> memref<128xi32, #tpu.memory_space<hbm>>
        tpu.wait_dma2 semaphore(%run_scoped3A : memref<!tpu.dma_semaphore, #tpu.memory_space<semaphore_mem>>) src(%dma_wait3A_76 : memref<128xi32, #tpu.memory_space<hbm>>) dst(%arg8 : memref<128xi32, #tpu.memory_space<vmem>>)
        tpu.yield
      }) : () -> ()
      %mul3A_67 = arith.constant 128 : i32
      %mul3A_68 = arith.muli %while3A_64, %mul3A_67 : i32
      "tpu.region"() ({
        %run_scoped3A = tpu.sem_alloc : memref<!tpu.dma_semaphore, #tpu.memory_space<semaphore_mem>>
        %dma_start3A_73 = tpu.memref_slice %arg4[%mul3A_68] : memref<320000xi32, #tpu.memory_space<hbm>> -> memref<128xi32, #tpu.memory_space<hbm>>
        %dma_start3A_74 = tpu.memref_slice %arg4[%mul3A_68] : memref<320000xi32, #tpu.memory_space<hbm>> -> memref<128xi32, #tpu.memory_space<hbm>>
        tpu.enqueue_dma source(%dma_start3A_74 : memref<128xi32, #tpu.memory_space<hbm>>) target(%arg9 : memref<128xi32, #tpu.memory_space<vmem>>) target_semaphore(%run_scoped3A : memref<!tpu.dma_semaphore, #tpu.memory_space<semaphore_mem>>)
        %dma_wait3A_75 = tpu.memref_slice %arg4[%mul3A_68] : memref<320000xi32, #tpu.memory_space<hbm>> -> memref<128xi32, #tpu.memory_space<hbm>>
        %dma_wait3A_76 = tpu.memref_slice %arg4[%mul3A_68] : memref<320000xi32, #tpu.memory_space<hbm>> -> memref<128xi32, #tpu.memory_space<hbm>>
        tpu.wait_dma2 semaphore(%run_scoped3A : memref<!tpu.dma_semaphore, #tpu.memory_space<semaphore_mem>>) src(%dma_wait3A_76 : memref<128xi32, #tpu.memory_space<hbm>>) dst(%arg9 : memref<128xi32, #tpu.memory_space<vmem>>)
        tpu.yield
      }) : () -> ()
      %dma_start3A = arith.constant 0 : i32
      %dma_start3A_69 = arith.constant 0 : i32
      %dma_start3A_70 = tpu.memref_slice %arg2[%dma_start3A, %dma_start3A_69] : memref<10000x128xf32, #tpu.memory_space<hbm>> -> memref<10000x128xf32, #tpu.memory_space<hbm>>
      tpu.enqueue_indirect_dma source(%dma_start3A_70 : memref<10000x128xf32, #tpu.memory_space<hbm>>) target(%arg10 : memref<128x128xf32, #tpu.memory_space<vmem>>) offsets(%arg8 : memref<128xi32, #tpu.memory_space<vmem>>) semaphore(%arg11 : memref<!tpu.dma_semaphore, #tpu.memory_space<semaphore_mem>>)
      %dma_wait3A = arith.constant 0 : i32
      %dma_wait3A_71 = arith.constant 0 : i32
      %dma_wait3A_72 = tpu.memref_slice %arg2[%dma_wait3A, %dma_wait3A_71] : memref<10000x128xf32, #tpu.memory_space<hbm>> -> memref<10000x128xf32, #tpu.memory_space<hbm>>
      tpu.wait_indirect_dma semaphore(%arg11 : memref<!tpu.dma_semaphore, #tpu.memory_space<semaphore_mem>>) src(%dma_wait3A_72 : memref<10000x128xf32, #tpu.memory_space<hbm>>) dst(%arg10 : memref<128x128xf32, #tpu.memory_space<vmem>>)
      "tpu.region"() ({
        %run_scoped3A = tpu.sem_alloc : memref<!tpu.dma_semaphore, #tpu.memory_space<semaphore_mem>>
        %dma_start3A_73 = arith.constant 0 : i32
        %dma_start3A_74 = arith.constant 0 : i32
        %dma_start3A_75 = tpu.memref_slice %arg7[%dma_start3A_73, %dma_start3A_74] : memref<10240x128xf32, #tpu.memory_space<vmem_shared>> -> memref<10240x128xf32, #tpu.memory_space<vmem_shared>>
        tpu.enqueue_indirect_dma source(%arg10 : memref<128x128xf32, #tpu.memory_space<vmem>>) target(%dma_start3A_75 : memref<10240x128xf32, #tpu.memory_space<vmem_shared>>) offsets(%arg9 : memref<128xi32, #tpu.memory_space<vmem>>) semaphore(%run_scoped3A : memref<!tpu.dma_semaphore, #tpu.memory_space<semaphore_mem>>) {add = true}
        %dma_wait3A_76 = arith.constant 0 : i32
        %dma_wait3A_77 = arith.constant 0 : i32
        %dma_wait3A_78 = tpu.memref_slice %arg7[%dma_wait3A_76, %dma_wait3A_77] : memref<10240x128xf32, #tpu.memory_space<vmem_shared>> -> memref<10240x128xf32, #tpu.memory_space<vmem_shared>>
        tpu.wait_indirect_dma semaphore(%run_scoped3A : memref<!tpu.dma_semaphore, #tpu.memory_space<semaphore_mem>>) src(%arg10 : memref<128x128xf32, #tpu.memory_space<vmem>>) dst(%dma_wait3A_78 : memref<10240x128xf32, #tpu.memory_space<vmem_shared>>)
        tpu.yield
      }) : () -> ()
    }
    %barrier3A_59 = arith.constant 0 : index
    tpu.barrier barrier_id(%barrier3A_59)
    %mul3A_60 = arith.constant 640 : i32
    %mul3A_61 = arith.muli %arg1, %mul3A_60 : i32
    %mul3A_62 = arith.constant 640 : i32
    %mul3A_63 = arith.muli %arg1, %mul3A_62 : i32
    "tpu.region"() ({
      %run_scoped3A = tpu.sem_alloc : memref<!tpu.dma_semaphore, #tpu.memory_space<semaphore_mem>>
      %dma_start3A = arith.constant 0 : i32
      %dma_start3A_64 = tpu.memref_slice %arg6[%arg0, %mul3A_63, %dma_start3A] : memref<2x10240x128xf32, #tpu.memory_space<hbm>> -> memref<1x640x128xf32, #tpu.memory_space<hbm>>
      %dma_start3A_65 = tpu.memref_squeeze %dma_start3A_64 : memref<1x640x128xf32, #tpu.memory_space<hbm>> -> memref<640x128xf32, #tpu.memory_space<hbm>>
      %dma_start3A_66 = arith.constant 0 : i32
      %dma_start3A_67 = tpu.memref_slice %arg7[%mul3A_61, %dma_start3A_66] : memref<10240x128xf32, #tpu.memory_space<vmem_shared>> -> memref<640x128xf32, #tpu.memory_space<vmem_shared>>
      tpu.enqueue_dma source(%dma_start3A_67 : memref<640x128xf32, #tpu.memory_space<vmem_shared>>) target(%dma_start3A_65 : memref<640x128xf32, #tpu.memory_space<hbm>>) target_semaphore(%run_scoped3A : memref<!tpu.dma_semaphore, #tpu.memory_space<semaphore_mem>>)
      %dma_wait3A = arith.constant 0 : i32
      %dma_wait3A_68 = tpu.memref_slice %arg6[%arg0, %mul3A_63, %dma_wait3A] : memref<2x10240x128xf32, #tpu.memory_space<hbm>> -> memref<1x640x128xf32, #tpu.memory_space<hbm>>
      %dma_wait3A_69 = tpu.memref_squeeze %dma_wait3A_68 : memref<1x640x128xf32, #tpu.memory_space<hbm>> -> memref<640x128xf32, #tpu.memory_space<hbm>>
      %dma_wait3A_70 = arith.constant 0 : i32
      %dma_wait3A_71 = tpu.memref_slice %arg7[%mul3A_61, %dma_wait3A_70] : memref<10240x128xf32, #tpu.memory_space<vmem_shared>> -> memref<640x128xf32, #tpu.memory_space<vmem_shared>>
      tpu.wait_dma2 semaphore(%run_scoped3A : memref<!tpu.dma_semaphore, #tpu.memory_space<semaphore_mem>>) src(%dma_wait3A_71 : memref<640x128xf32, #tpu.memory_space<vmem_shared>>) dst(%dma_wait3A_69 : memref<640x128xf32, #tpu.memory_space<hbm>>)
      tpu.yield
    }) : () -> ()
    return
  }
}

#map = affine_map<(d0, d1) -> (0)>
#map1 = affine_map<(d0, d1) -> (0, 0)>
#map2 = affine_map<(d0, d1) -> (0, 0, 0)>
module attributes {stable_mosaic.version = 14 : i64} {
  func.func @sc_deg(%arg0: i32, %arg1: i32, %arg2: memref<320000xi32, #tpu.memory_space<hbm>>, %arg3: memref<10240x128xf32, #tpu.memory_space<hbm>>, %arg4: memref<2x10240x128xf32, #tpu.memory_space<hbm>>, %arg5: memref<10240x128xf32, #tpu.memory_space<vmem_shared>>, %arg6: memref<128xi32, #tpu.memory_space<vmem>>, %arg7: memref<128x128xf32, #tpu.memory_space<vmem>>) attributes {dimension_semantics = [#tpu.dimension_semantics<core_parallel>, #tpu.dimension_semantics<subcore_parallel>], iteration_bounds = array<i64: 2, 16>, scalar_prefetch = 0 : i64, scratch_operands = 3 : i64, tpu.core_type = #tpu.core_type<sc_vector_subcore>, window_params = [{transform_indices = #map}, {transform_indices = #map1}, {transform_indices = #map2}]} {
    %mul3A = arith.constant 16 : i32
    %mul3A_0 = arith.muli %arg0, %mul3A : i32
    %add3A = arith.addi %mul3A_0, %arg1 : i32
    %scan3A = arith.constant 0 : i32
    %scan3A_1 = arith.constant 0 : i32
    %scan3A_2 = arith.constant 128 : i32
    %scan3A_3 = arith.addi %scan3A_1, %scan3A_2 : i32
    %scan3A_4 = arith.constant 1 : i32
    scf.for %scan3A_69 = %scan3A_1 to %scan3A_3 step %scan3A_4  : i32 {
      %broadcast_in_dim3A = arith.constant 1.000000e+00 : f32
      %broadcast_in_dim3A_70 = vector.broadcast %broadcast_in_dim3A : f32 to vector<16xf32>
      %swap3A = arith.index_cast %scan3A_69 : i32 to index
      %swap3A_71 = arith.constant 0 : index
      %swap3A_72 = tpu.vector_load %arg7[%swap3A, %swap3A_71] {strides = array<i32>} : memref<128x128xf32, #tpu.memory_space<vmem>>, vector<1x16xf32>,
      %swap3A_73 = vector.shape_cast %swap3A_72 : vector<1x16xf32> to vector<16xf32>
      %swap3A_74 = vector.shape_cast %broadcast_in_dim3A_70 : vector<16xf32> to vector<1x16xf32>
      tpu.vector_store %arg7[%swap3A, %swap3A_71], %swap3A_74 {strides = array<i32>} : memref<128x128xf32, #tpu.memory_space<vmem>>, vector<1x16xf32>,
    }
    %scan3A_5 = arith.constant 128 : i32
    %mul3A_6 = arith.constant 640 : i32
    %mul3A_7 = arith.muli %arg1, %mul3A_6 : i32
    %mul3A_8 = arith.constant 640 : i32
    %mul3A_9 = arith.muli %arg1, %mul3A_8 : i32
    "tpu.region"() ({
      %run_scoped3A = tpu.sem_alloc : memref<!tpu.dma_semaphore, #tpu.memory_space<semaphore_mem>>
      %dma_start3A = arith.constant 0 : i32
      %dma_start3A_69 = tpu.memref_slice %arg5[%mul3A_9, %dma_start3A] : memref<10240x128xf32, #tpu.memory_space<vmem_shared>> -> memref<640x128xf32, #tpu.memory_space<vmem_shared>>
      %dma_start3A_70 = arith.constant 0 : i32
      %dma_start3A_71 = tpu.memref_slice %arg3[%mul3A_7, %dma_start3A_70] : memref<10240x128xf32, #tpu.memory_space<hbm>> -> memref<640x128xf32, #tpu.memory_space<hbm>>
      tpu.enqueue_dma source(%dma_start3A_71 : memref<640x128xf32, #tpu.memory_space<hbm>>) target(%dma_start3A_69 : memref<640x128xf32, #tpu.memory_space<vmem_shared>>) target_semaphore(%run_scoped3A : memref<!tpu.dma_semaphore, #tpu.memory_space<semaphore_mem>>)
      %dma_wait3A = arith.constant 0 : i32
      %dma_wait3A_72 = tpu.memref_slice %arg5[%mul3A_9, %dma_wait3A] : memref<10240x128xf32, #tpu.memory_space<vmem_shared>> -> memref<640x128xf32, #tpu.memory_space<vmem_shared>>
      %dma_wait3A_73 = arith.constant 0 : i32
      %dma_wait3A_74 = tpu.memref_slice %arg3[%mul3A_7, %dma_wait3A_73] : memref<10240x128xf32, #tpu.memory_space<hbm>> -> memref<640x128xf32, #tpu.memory_space<hbm>>
      tpu.wait_dma2 semaphore(%run_scoped3A : memref<!tpu.dma_semaphore, #tpu.memory_space<semaphore_mem>>) src(%dma_wait3A_74 : memref<640x128xf32, #tpu.memory_space<hbm>>) dst(%dma_wait3A_72 : memref<640x128xf32, #tpu.memory_space<vmem_shared>>)
      tpu.yield
    }) : () -> ()
    %barrier3A = arith.constant 0 : index
    tpu.barrier barrier_id(%barrier3A)
    %mul3A_10 = arith.constant 2500 : i32
    %mul3A_11 = arith.muli %add3A, %mul3A_10 : i32
    %jit3A = arith.constant 32 : i32
    %div3A = arith.divsi %mul3A_11, %jit3A : i32
    %sign3A = arith.constant 0 : i32
    %sign3A_12 = arith.cmpi sgt, %mul3A_11, %sign3A : i32
    %sign3A_13 = arith.extui %sign3A_12 : i1 to i32
    %sign3A_14 = arith.constant 0 : i32
    %sign3A_15 = arith.cmpi slt, %mul3A_11, %sign3A_14 : i32
    %sign3A_16 = arith.extui %sign3A_15 : i1 to i32
    %sign3A_17 = arith.subi %sign3A_13, %sign3A_16 : i32
    %sign3A_18 = arith.constant 0 : i32
    %sign3A_19 = arith.cmpi sgt, %jit3A, %sign3A_18 : i32
    %sign3A_20 = arith.extui %sign3A_19 : i1 to i32
    %sign3A_21 = arith.constant 0 : i32
    %sign3A_22 = arith.cmpi slt, %jit3A, %sign3A_21 : i32
    %sign3A_23 = arith.extui %sign3A_22 : i1 to i32
    %sign3A_24 = arith.subi %sign3A_20, %sign3A_23 : i32
    %ne3A = arith.cmpi ne, %sign3A_17, %sign3A_24 : i32
    %rem3A = arith.remsi %mul3A_11, %jit3A : i32
    %ne3A_25 = arith.constant 0 : i32
    %ne3A_26 = arith.cmpi ne, %rem3A, %ne3A_25 : i32
    %and3A = arith.andi %ne3A, %ne3A_26 : i1
    %sub3A = arith.constant 1 : i32
    %sub3A_27 = arith.subi %div3A, %sub3A : i32
    %select_n3A = arith.select %and3A, %sub3A_27, %div3A : i32
    %add3A_28 = arith.constant 1 : i32
    %add3A_29 = arith.addi %add3A, %add3A_28 : i32
    %mul3A_30 = arith.constant 2500 : i32
    %mul3A_31 = arith.muli %add3A_29, %mul3A_30 : i32
    %jit3A_32 = arith.constant 32 : i32
    %div3A_33 = arith.divsi %mul3A_31, %jit3A_32 : i32
    %sign3A_34 = arith.constant 0 : i32
    %sign3A_35 = arith.cmpi sgt, %mul3A_31, %sign3A_34 : i32
    %sign3A_36 = arith.extui %sign3A_35 : i1 to i32
    %sign3A_37 = arith.constant 0 : i32
    %sign3A_38 = arith.cmpi slt, %mul3A_31, %sign3A_37 : i32
    %sign3A_39 = arith.extui %sign3A_38 : i1 to i32
    %sign3A_40 = arith.subi %sign3A_36, %sign3A_39 : i32
    %sign3A_41 = arith.constant 0 : i32
    %sign3A_42 = arith.cmpi sgt, %jit3A_32, %sign3A_41 : i32
    %sign3A_43 = arith.extui %sign3A_42 : i1 to i32
    %sign3A_44 = arith.constant 0 : i32
    %sign3A_45 = arith.cmpi slt, %jit3A_32, %sign3A_44 : i32
    %sign3A_46 = arith.extui %sign3A_45 : i1 to i32
    %sign3A_47 = arith.subi %sign3A_43, %sign3A_46 : i32
    %ne3A_48 = arith.cmpi ne, %sign3A_40, %sign3A_47 : i32
    %rem3A_49 = arith.remsi %mul3A_31, %jit3A_32 : i32
    %ne3A_50 = arith.constant 0 : i32
    %ne3A_51 = arith.cmpi ne, %rem3A_49, %ne3A_50 : i32
    %and3A_52 = arith.andi %ne3A_48, %ne3A_51 : i1
    %sub3A_53 = arith.constant 1 : i32
    %sub3A_54 = arith.subi %div3A_33, %sub3A_53 : i32
    %select_n3A_55 = arith.select %and3A_52, %sub3A_54, %div3A_33 : i32
    %while3A = arith.constant 0 : i32
    %while3A_56 = arith.subi %select_n3A_55, %select_n3A : i32
    %while3A_57 = arith.addi %select_n3A, %while3A_56 : i32
    %while3A_58 = arith.constant 1 : i32
    %while3A_59 = arith.divsi %while3A_56, %while3A_58 : i32
    %while3A_60 = arith.muli %while3A_59, %while3A_58 : i32
    %while3A_61 = arith.addi %select_n3A, %while3A_60 : i32
    %while3A_62 = arith.constant 1 : i32
    scf.for %while3A_69 = %select_n3A to %while3A_61 step %while3A_62  : i32 {
      %mul3A_70 = arith.constant 128 : i32
      %mul3A_71 = arith.muli %while3A_69, %mul3A_70 : i32
      "tpu.region"() ({
        %run_scoped3A = tpu.sem_alloc : memref<!tpu.dma_semaphore, #tpu.memory_space<semaphore_mem>>
        %dma_start3A = tpu.memref_slice %arg2[%mul3A_71] : memref<320000xi32, #tpu.memory_space<hbm>> -> memref<128xi32, #tpu.memory_space<hbm>>
        %dma_start3A_72 = tpu.memref_slice %arg2[%mul3A_71] : memref<320000xi32, #tpu.memory_space<hbm>> -> memref<128xi32, #tpu.memory_space<hbm>>
        tpu.enqueue_dma source(%dma_start3A_72 : memref<128xi32, #tpu.memory_space<hbm>>) target(%arg6 : memref<128xi32, #tpu.memory_space<vmem>>) target_semaphore(%run_scoped3A : memref<!tpu.dma_semaphore, #tpu.memory_space<semaphore_mem>>)
        %dma_wait3A = tpu.memref_slice %arg2[%mul3A_71] : memref<320000xi32, #tpu.memory_space<hbm>> -> memref<128xi32, #tpu.memory_space<hbm>>
        %dma_wait3A_73 = tpu.memref_slice %arg2[%mul3A_71] : memref<320000xi32, #tpu.memory_space<hbm>> -> memref<128xi32, #tpu.memory_space<hbm>>
        tpu.wait_dma2 semaphore(%run_scoped3A : memref<!tpu.dma_semaphore, #tpu.memory_space<semaphore_mem>>) src(%dma_wait3A_73 : memref<128xi32, #tpu.memory_space<hbm>>) dst(%arg6 : memref<128xi32, #tpu.memory_space<vmem>>)
        tpu.yield
      }) : () -> ()
      "tpu.region"() ({
        %run_scoped3A = tpu.sem_alloc : memref<!tpu.dma_semaphore, #tpu.memory_space<semaphore_mem>>
        %dma_start3A = arith.constant 0 : i32
        %dma_start3A_72 = arith.constant 0 : i32
        %dma_start3A_73 = tpu.memref_slice %arg5[%dma_start3A, %dma_start3A_72] : memref<10240x128xf32, #tpu.memory_space<vmem_shared>> -> memref<10240x128xf32, #tpu.memory_space<vmem_shared>>
        tpu.enqueue_indirect_dma source(%arg7 : memref<128x128xf32, #tpu.memory_space<vmem>>) target(%dma_start3A_73 : memref<10240x128xf32, #tpu.memory_space<vmem_shared>>) offsets(%arg6 : memref<128xi32, #tpu.memory_space<vmem>>) semaphore(%run_scoped3A : memref<!tpu.dma_semaphore, #tpu.memory_space<semaphore_mem>>) {add = true}
        %dma_wait3A = arith.constant 0 : i32
        %dma_wait3A_74 = arith.constant 0 : i32
        %dma_wait3A_75 = tpu.memref_slice %arg5[%dma_wait3A, %dma_wait3A_74] : memref<10240x128xf32, #tpu.memory_space<vmem_shared>> -> memref<10240x128xf32, #tpu.memory_space<vmem_shared>>
        tpu.wait_indirect_dma semaphore(%run_scoped3A : memref<!tpu.dma_semaphore, #tpu.memory_space<semaphore_mem>>) src(%arg7 : memref<128x128xf32, #tpu.memory_space<vmem>>) dst(%dma_wait3A_75 : memref<10240x128xf32, #tpu.memory_space<vmem_shared>>)
        tpu.yield
      }) : () -> ()
    }
    %while3A_63 = arith.constant 1 : i32
    scf.for %while3A_69 = %while3A_61 to %while3A_57 step %while3A_63  : i32 {
      %mul3A_70 = arith.constant 128 : i32
      %mul3A_71 = arith.muli %while3A_69, %mul3A_70 : i32
      "tpu.region"() ({
        %run_scoped3A = tpu.sem_alloc : memref<!tpu.dma_semaphore, #tpu.memory_space<semaphore_mem>>
        %dma_start3A = tpu.memref_slice %arg2[%mul3A_71] : memref<320000xi32, #tpu.memory_space<hbm>> -> memref<128xi32, #tpu.memory_space<hbm>>
        %dma_start3A_72 = tpu.memref_slice %arg2[%mul3A_71] : memref<320000xi32, #tpu.memory_space<hbm>> -> memref<128xi32, #tpu.memory_space<hbm>>
        tpu.enqueue_dma source(%dma_start3A_72 : memref<128xi32, #tpu.memory_space<hbm>>) target(%arg6 : memref<128xi32, #tpu.memory_space<vmem>>) target_semaphore(%run_scoped3A : memref<!tpu.dma_semaphore, #tpu.memory_space<semaphore_mem>>)
        %dma_wait3A = tpu.memref_slice %arg2[%mul3A_71] : memref<320000xi32, #tpu.memory_space<hbm>> -> memref<128xi32, #tpu.memory_space<hbm>>
        %dma_wait3A_73 = tpu.memref_slice %arg2[%mul3A_71] : memref<320000xi32, #tpu.memory_space<hbm>> -> memref<128xi32, #tpu.memory_space<hbm>>
        tpu.wait_dma2 semaphore(%run_scoped3A : memref<!tpu.dma_semaphore, #tpu.memory_space<semaphore_mem>>) src(%dma_wait3A_73 : memref<128xi32, #tpu.memory_space<hbm>>) dst(%arg6 : memref<128xi32, #tpu.memory_space<vmem>>)
        tpu.yield
      }) : () -> ()
      "tpu.region"() ({
        %run_scoped3A = tpu.sem_alloc : memref<!tpu.dma_semaphore, #tpu.memory_space<semaphore_mem>>
        %dma_start3A = arith.constant 0 : i32
        %dma_start3A_72 = arith.constant 0 : i32
        %dma_start3A_73 = tpu.memref_slice %arg5[%dma_start3A, %dma_start3A_72] : memref<10240x128xf32, #tpu.memory_space<vmem_shared>> -> memref<10240x128xf32, #tpu.memory_space<vmem_shared>>
        tpu.enqueue_indirect_dma source(%arg7 : memref<128x128xf32, #tpu.memory_space<vmem>>) target(%dma_start3A_73 : memref<10240x128xf32, #tpu.memory_space<vmem_shared>>) offsets(%arg6 : memref<128xi32, #tpu.memory_space<vmem>>) semaphore(%run_scoped3A : memref<!tpu.dma_semaphore, #tpu.memory_space<semaphore_mem>>) {add = true}
        %dma_wait3A = arith.constant 0 : i32
        %dma_wait3A_74 = arith.constant 0 : i32
        %dma_wait3A_75 = tpu.memref_slice %arg5[%dma_wait3A, %dma_wait3A_74] : memref<10240x128xf32, #tpu.memory_space<vmem_shared>> -> memref<10240x128xf32, #tpu.memory_space<vmem_shared>>
        tpu.wait_indirect_dma semaphore(%run_scoped3A : memref<!tpu.dma_semaphore, #tpu.memory_space<semaphore_mem>>) src(%arg7 : memref<128x128xf32, #tpu.memory_space<vmem>>) dst(%dma_wait3A_75 : memref<10240x128xf32, #tpu.memory_space<vmem_shared>>)
        tpu.yield
      }) : () -> ()
    }
    %barrier3A_64 = arith.constant 0 : index
    tpu.barrier barrier_id(%barrier3A_64)
    %mul3A_65 = arith.constant 640 : i32
    %mul3A_66 = arith.muli %arg1, %mul3A_65 : i32
    %mul3A_67 = arith.constant 640 : i32
    %mul3A_68 = arith.muli %arg1, %mul3A_67 : i32
    "tpu.region"() ({
      %run_scoped3A = tpu.sem_alloc : memref<!tpu.dma_semaphore, #tpu.memory_space<semaphore_mem>>
      %dma_start3A = arith.constant 0 : i32
      %dma_start3A_69 = tpu.memref_slice %arg4[%arg0, %mul3A_68, %dma_start3A] : memref<2x10240x128xf32, #tpu.memory_space<hbm>> -> memref<1x640x128xf32, #tpu.memory_space<hbm>>
      %dma_start3A_70 = tpu.memref_squeeze %dma_start3A_69 : memref<1x640x128xf32, #tpu.memory_space<hbm>> -> memref<640x128xf32, #tpu.memory_space<hbm>>
      %dma_start3A_71 = arith.constant 0 : i32
      %dma_start3A_72 = tpu.memref_slice %arg5[%mul3A_66, %dma_start3A_71] : memref<10240x128xf32, #tpu.memory_space<vmem_shared>> -> memref<640x128xf32, #tpu.memory_space<vmem_shared>>
      tpu.enqueue_dma source(%dma_start3A_72 : memref<640x128xf32, #tpu.memory_space<vmem_shared>>) target(%dma_start3A_70 : memref<640x128xf32, #tpu.memory_space<hbm>>) target_semaphore(%run_scoped3A : memref<!tpu.dma_semaphore, #tpu.memory_space<semaphore_mem>>)
      %dma_wait3A = arith.constant 0 : i32
      %dma_wait3A_73 = tpu.memref_slice %arg4[%arg0, %mul3A_68, %dma_wait3A] : memref<2x10240x128xf32, #tpu.memory_space<hbm>> -> memref<1x640x128xf32, #tpu.memory_space<hbm>>
      %dma_wait3A_74 = tpu.memref_squeeze %dma_wait3A_73 : memref<1x640x128xf32, #tpu.memory_space<hbm>> -> memref<640x128xf32, #tpu.memory_space<hbm>>
      %dma_wait3A_75 = arith.constant 0 : i32
      %dma_wait3A_76 = tpu.memref_slice %arg5[%mul3A_66, %dma_wait3A_75] : memref<10240x128xf32, #tpu.memory_space<vmem_shared>> -> memref<640x128xf32, #tpu.memory_space<vmem_shared>>
      tpu.wait_dma2 semaphore(%run_scoped3A : memref<!tpu.dma_semaphore, #tpu.memory_space<semaphore_mem>>) src(%dma_wait3A_76 : memref<640x128xf32, #tpu.memory_space<vmem_shared>>) dst(%dma_wait3A_74 : memref<640x128xf32, #tpu.memory_space<hbm>>)
      tpu.yield
    }) : () -> ()
    return
  }
}

#map = affine_map<(d0, d1) -> (0, 0)>
#map1 = affine_map<(d0, d1) -> (0)>
#map2 = affine_map<(d0, d1) -> (0, 0, 0)>
module attributes {stable_mosaic.version = 14 : i64} {
  func.func @sc_agg(%arg0: i32, %arg1: i32, %arg2: memref<10000x128xf32, #tpu.memory_space<hbm>>, %arg3: memref<320000xi32, #tpu.memory_space<hbm>>, %arg4: memref<320000xi32, #tpu.memory_space<hbm>>, %arg5: memref<10240x128xf32, #tpu.memory_space<hbm>>, %arg6: memref<2x10240x128xf32, #tpu.memory_space<hbm>>, %arg7: memref<10240x128xf32, #tpu.memory_space<vmem_shared>>, %arg8: memref<128xi32, #tpu.memory_space<vmem>>, %arg9: memref<128xi32, #tpu.memory_space<vmem>>, %arg10: memref<128x128xf32, #tpu.memory_space<vmem>>, %arg11: memref<!tpu.dma_semaphore, #tpu.memory_space<semaphore_mem>>) attributes {dimension_semantics = [#tpu.dimension_semantics<core_parallel>, #tpu.dimension_semantics<subcore_parallel>], iteration_bounds = array<i64: 2, 16>, scalar_prefetch = 0 : i64, scratch_operands = 5 : i64, tpu.core_type = #tpu.core_type<sc_vector_subcore>, window_params = [{transform_indices = #map}, {transform_indices = #map1}, {transform_indices = #map1}, {transform_indices = #map}, {transform_indices = #map2}]} {
    %mul3A = arith.constant 16 : i32
    %mul3A_0 = arith.muli %arg0, %mul3A : i32
    %add3A = arith.addi %mul3A_0, %arg1 : i32
    %mul3A_1 = arith.constant 640 : i32
    %mul3A_2 = arith.muli %arg1, %mul3A_1 : i32
    %mul3A_3 = arith.constant 640 : i32
    %mul3A_4 = arith.muli %arg1, %mul3A_3 : i32
    "tpu.region"() ({
      %run_scoped3A = tpu.sem_alloc : memref<!tpu.dma_semaphore, #tpu.memory_space<semaphore_mem>>
      %dma_start3A = arith.constant 0 : i32
      %dma_start3A_64 = tpu.memref_slice %arg7[%mul3A_4, %dma_start3A] : memref<10240x128xf32, #tpu.memory_space<vmem_shared>> -> memref<640x128xf32, #tpu.memory_space<vmem_shared>>
      %dma_start3A_65 = arith.constant 0 : i32
      %dma_start3A_66 = tpu.memref_slice %arg5[%mul3A_2, %dma_start3A_65] : memref<10240x128xf32, #tpu.memory_space<hbm>> -> memref<640x128xf32, #tpu.memory_space<hbm>>
      tpu.enqueue_dma source(%dma_start3A_66 : memref<640x128xf32, #tpu.memory_space<hbm>>) target(%dma_start3A_64 : memref<640x128xf32, #tpu.memory_space<vmem_shared>>) target_semaphore(%run_scoped3A : memref<!tpu.dma_semaphore, #tpu.memory_space<semaphore_mem>>)
      %dma_wait3A = arith.constant 0 : i32
      %dma_wait3A_67 = tpu.memref_slice %arg7[%mul3A_4, %dma_wait3A] : memref<10240x128xf32, #tpu.memory_space<vmem_shared>> -> memref<640x128xf32, #tpu.memory_space<vmem_shared>>
      %dma_wait3A_68 = arith.constant 0 : i32
      %dma_wait3A_69 = tpu.memref_slice %arg5[%mul3A_2, %dma_wait3A_68] : memref<10240x128xf32, #tpu.memory_space<hbm>> -> memref<640x128xf32, #tpu.memory_space<hbm>>
      tpu.wait_dma2 semaphore(%run_scoped3A : memref<!tpu.dma_semaphore, #tpu.memory_space<semaphore_mem>>) src(%dma_wait3A_69 : memref<640x128xf32, #tpu.memory_space<hbm>>) dst(%dma_wait3A_67 : memref<640x128xf32, #tpu.memory_space<vmem_shared>>)
      tpu.yield
    }) : () -> ()
    %barrier3A = arith.constant 0 : index
    tpu.barrier barrier_id(%barrier3A)
    %mul3A_5 = arith.constant 2500 : i32
    %mul3A_6 = arith.muli %add3A, %mul3A_5 : i32
    %jit3A = arith.constant 32 : i32
    %div3A = arith.divsi %mul3A_6, %jit3A : i32
    %sign3A = arith.constant 0 : i32
    %sign3A_7 = arith.cmpi sgt, %mul3A_6, %sign3A : i32
    %sign3A_8 = arith.extui %sign3A_7 : i1 to i32
    %sign3A_9 = arith.constant 0 : i32
    %sign3A_10 = arith.cmpi slt, %mul3A_6, %sign3A_9 : i32
    %sign3A_11 = arith.extui %sign3A_10 : i1 to i32
    %sign3A_12 = arith.subi %sign3A_8, %sign3A_11 : i32
    %sign3A_13 = arith.constant 0 : i32
    %sign3A_14 = arith.cmpi sgt, %jit3A, %sign3A_13 : i32
    %sign3A_15 = arith.extui %sign3A_14 : i1 to i32
    %sign3A_16 = arith.constant 0 : i32
    %sign3A_17 = arith.cmpi slt, %jit3A, %sign3A_16 : i32
    %sign3A_18 = arith.extui %sign3A_17 : i1 to i32
    %sign3A_19 = arith.subi %sign3A_15, %sign3A_18 : i32
    %ne3A = arith.cmpi ne, %sign3A_12, %sign3A_19 : i32
    %rem3A = arith.remsi %mul3A_6, %jit3A : i32
    %ne3A_20 = arith.constant 0 : i32
    %ne3A_21 = arith.cmpi ne, %rem3A, %ne3A_20 : i32
    %and3A = arith.andi %ne3A, %ne3A_21 : i1
    %sub3A = arith.constant 1 : i32
    %sub3A_22 = arith.subi %div3A, %sub3A : i32
    %select_n3A = arith.select %and3A, %sub3A_22, %div3A : i32
    %add3A_23 = arith.constant 1 : i32
    %add3A_24 = arith.addi %add3A, %add3A_23 : i32
    %mul3A_25 = arith.constant 2500 : i32
    %mul3A_26 = arith.muli %add3A_24, %mul3A_25 : i32
    %jit3A_27 = arith.constant 32 : i32
    %div3A_28 = arith.divsi %mul3A_26, %jit3A_27 : i32
    %sign3A_29 = arith.constant 0 : i32
    %sign3A_30 = arith.cmpi sgt, %mul3A_26, %sign3A_29 : i32
    %sign3A_31 = arith.extui %sign3A_30 : i1 to i32
    %sign3A_32 = arith.constant 0 : i32
    %sign3A_33 = arith.cmpi slt, %mul3A_26, %sign3A_32 : i32
    %sign3A_34 = arith.extui %sign3A_33 : i1 to i32
    %sign3A_35 = arith.subi %sign3A_31, %sign3A_34 : i32
    %sign3A_36 = arith.constant 0 : i32
    %sign3A_37 = arith.cmpi sgt, %jit3A_27, %sign3A_36 : i32
    %sign3A_38 = arith.extui %sign3A_37 : i1 to i32
    %sign3A_39 = arith.constant 0 : i32
    %sign3A_40 = arith.cmpi slt, %jit3A_27, %sign3A_39 : i32
    %sign3A_41 = arith.extui %sign3A_40 : i1 to i32
    %sign3A_42 = arith.subi %sign3A_38, %sign3A_41 : i32
    %ne3A_43 = arith.cmpi ne, %sign3A_35, %sign3A_42 : i32
    %rem3A_44 = arith.remsi %mul3A_26, %jit3A_27 : i32
    %ne3A_45 = arith.constant 0 : i32
    %ne3A_46 = arith.cmpi ne, %rem3A_44, %ne3A_45 : i32
    %and3A_47 = arith.andi %ne3A_43, %ne3A_46 : i1
    %sub3A_48 = arith.constant 1 : i32
    %sub3A_49 = arith.subi %div3A_28, %sub3A_48 : i32
    %select_n3A_50 = arith.select %and3A_47, %sub3A_49, %div3A_28 : i32
    %while3A = arith.constant 0 : i32
    %while3A_51 = arith.subi %select_n3A_50, %select_n3A : i32
    %while3A_52 = arith.addi %select_n3A, %while3A_51 : i32
    %while3A_53 = arith.constant 1 : i32
    %while3A_54 = arith.divsi %while3A_51, %while3A_53 : i32
    %while3A_55 = arith.muli %while3A_54, %while3A_53 : i32
    %while3A_56 = arith.addi %select_n3A, %while3A_55 : i32
    %while3A_57 = arith.constant 1 : i32
    scf.for %while3A_64 = %select_n3A to %while3A_56 step %while3A_57  : i32 {
      %mul3A_65 = arith.constant 128 : i32
      %mul3A_66 = arith.muli %while3A_64, %mul3A_65 : i32
      "tpu.region"() ({
        %run_scoped3A = tpu.sem_alloc : memref<!tpu.dma_semaphore, #tpu.memory_space<semaphore_mem>>
        %dma_start3A_73 = tpu.memref_slice %arg3[%mul3A_66] : memref<320000xi32, #tpu.memory_space<hbm>> -> memref<128xi32, #tpu.memory_space<hbm>>
        %dma_start3A_74 = tpu.memref_slice %arg3[%mul3A_66] : memref<320000xi32, #tpu.memory_space<hbm>> -> memref<128xi32, #tpu.memory_space<hbm>>
        tpu.enqueue_dma source(%dma_start3A_74 : memref<128xi32, #tpu.memory_space<hbm>>) target(%arg8 : memref<128xi32, #tpu.memory_space<vmem>>) target_semaphore(%run_scoped3A : memref<!tpu.dma_semaphore, #tpu.memory_space<semaphore_mem>>)
        %dma_wait3A_75 = tpu.memref_slice %arg3[%mul3A_66] : memref<320000xi32, #tpu.memory_space<hbm>> -> memref<128xi32, #tpu.memory_space<hbm>>
        %dma_wait3A_76 = tpu.memref_slice %arg3[%mul3A_66] : memref<320000xi32, #tpu.memory_space<hbm>> -> memref<128xi32, #tpu.memory_space<hbm>>
        tpu.wait_dma2 semaphore(%run_scoped3A : memref<!tpu.dma_semaphore, #tpu.memory_space<semaphore_mem>>) src(%dma_wait3A_76 : memref<128xi32, #tpu.memory_space<hbm>>) dst(%arg8 : memref<128xi32, #tpu.memory_space<vmem>>)
        tpu.yield
      }) : () -> ()
      %mul3A_67 = arith.constant 128 : i32
      %mul3A_68 = arith.muli %while3A_64, %mul3A_67 : i32
      "tpu.region"() ({
        %run_scoped3A = tpu.sem_alloc : memref<!tpu.dma_semaphore, #tpu.memory_space<semaphore_mem>>
        %dma_start3A_73 = tpu.memref_slice %arg4[%mul3A_68] : memref<320000xi32, #tpu.memory_space<hbm>> -> memref<128xi32, #tpu.memory_space<hbm>>
        %dma_start3A_74 = tpu.memref_slice %arg4[%mul3A_68] : memref<320000xi32, #tpu.memory_space<hbm>> -> memref<128xi32, #tpu.memory_space<hbm>>
        tpu.enqueue_dma source(%dma_start3A_74 : memref<128xi32, #tpu.memory_space<hbm>>) target(%arg9 : memref<128xi32, #tpu.memory_space<vmem>>) target_semaphore(%run_scoped3A : memref<!tpu.dma_semaphore, #tpu.memory_space<semaphore_mem>>)
        %dma_wait3A_75 = tpu.memref_slice %arg4[%mul3A_68] : memref<320000xi32, #tpu.memory_space<hbm>> -> memref<128xi32, #tpu.memory_space<hbm>>
        %dma_wait3A_76 = tpu.memref_slice %arg4[%mul3A_68] : memref<320000xi32, #tpu.memory_space<hbm>> -> memref<128xi32, #tpu.memory_space<hbm>>
        tpu.wait_dma2 semaphore(%run_scoped3A : memref<!tpu.dma_semaphore, #tpu.memory_space<semaphore_mem>>) src(%dma_wait3A_76 : memref<128xi32, #tpu.memory_space<hbm>>) dst(%arg9 : memref<128xi32, #tpu.memory_space<vmem>>)
        tpu.yield
      }) : () -> ()
      %dma_start3A = arith.constant 0 : i32
      %dma_start3A_69 = arith.constant 0 : i32
      %dma_start3A_70 = tpu.memref_slice %arg2[%dma_start3A, %dma_start3A_69] : memref<10000x128xf32, #tpu.memory_space<hbm>> -> memref<10000x128xf32, #tpu.memory_space<hbm>>
      tpu.enqueue_indirect_dma source(%dma_start3A_70 : memref<10000x128xf32, #tpu.memory_space<hbm>>) target(%arg10 : memref<128x128xf32, #tpu.memory_space<vmem>>) offsets(%arg8 : memref<128xi32, #tpu.memory_space<vmem>>) semaphore(%arg11 : memref<!tpu.dma_semaphore, #tpu.memory_space<semaphore_mem>>)
      %dma_wait3A = arith.constant 0 : i32
      %dma_wait3A_71 = arith.constant 0 : i32
      %dma_wait3A_72 = tpu.memref_slice %arg2[%dma_wait3A, %dma_wait3A_71] : memref<10000x128xf32, #tpu.memory_space<hbm>> -> memref<10000x128xf32, #tpu.memory_space<hbm>>
      tpu.wait_indirect_dma semaphore(%arg11 : memref<!tpu.dma_semaphore, #tpu.memory_space<semaphore_mem>>) src(%dma_wait3A_72 : memref<10000x128xf32, #tpu.memory_space<hbm>>) dst(%arg10 : memref<128x128xf32, #tpu.memory_space<vmem>>)
      "tpu.region"() ({
        %run_scoped3A = tpu.sem_alloc : memref<!tpu.dma_semaphore, #tpu.memory_space<semaphore_mem>>
        %dma_start3A_73 = arith.constant 0 : i32
        %dma_start3A_74 = arith.constant 0 : i32
        %dma_start3A_75 = tpu.memref_slice %arg7[%dma_start3A_73, %dma_start3A_74] : memref<10240x128xf32, #tpu.memory_space<vmem_shared>> -> memref<10240x128xf32, #tpu.memory_space<vmem_shared>>
        tpu.enqueue_indirect_dma source(%arg10 : memref<128x128xf32, #tpu.memory_space<vmem>>) target(%dma_start3A_75 : memref<10240x128xf32, #tpu.memory_space<vmem_shared>>) offsets(%arg9 : memref<128xi32, #tpu.memory_space<vmem>>) semaphore(%run_scoped3A : memref<!tpu.dma_semaphore, #tpu.memory_space<semaphore_mem>>) {add = true}
        %dma_wait3A_76 = arith.constant 0 : i32
        %dma_wait3A_77 = arith.constant 0 : i32
        %dma_wait3A_78 = tpu.memref_slice %arg7[%dma_wait3A_76, %dma_wait3A_77] : memref<10240x128xf32, #tpu.memory_space<vmem_shared>> -> memref<10240x128xf32, #tpu.memory_space<vmem_shared>>
        tpu.wait_indirect_dma semaphore(%run_scoped3A : memref<!tpu.dma_semaphore, #tpu.memory_space<semaphore_mem>>) src(%arg10 : memref<128x128xf32, #tpu.memory_space<vmem>>) dst(%dma_wait3A_78 : memref<10240x128xf32, #tpu.memory_space<vmem_shared>>)
        tpu.yield
      }) : () -> ()
    }
    %while3A_58 = arith.constant 1 : i32
    scf.for %while3A_64 = %while3A_56 to %while3A_52 step %while3A_58  : i32 {
      %mul3A_65 = arith.constant 128 : i32
      %mul3A_66 = arith.muli %while3A_64, %mul3A_65 : i32
      "tpu.region"() ({
        %run_scoped3A = tpu.sem_alloc : memref<!tpu.dma_semaphore, #tpu.memory_space<semaphore_mem>>
        %dma_start3A_73 = tpu.memref_slice %arg3[%mul3A_66] : memref<320000xi32, #tpu.memory_space<hbm>> -> memref<128xi32, #tpu.memory_space<hbm>>
        %dma_start3A_74 = tpu.memref_slice %arg3[%mul3A_66] : memref<320000xi32, #tpu.memory_space<hbm>> -> memref<128xi32, #tpu.memory_space<hbm>>
        tpu.enqueue_dma source(%dma_start3A_74 : memref<128xi32, #tpu.memory_space<hbm>>) target(%arg8 : memref<128xi32, #tpu.memory_space<vmem>>) target_semaphore(%run_scoped3A : memref<!tpu.dma_semaphore, #tpu.memory_space<semaphore_mem>>)
        %dma_wait3A_75 = tpu.memref_slice %arg3[%mul3A_66] : memref<320000xi32, #tpu.memory_space<hbm>> -> memref<128xi32, #tpu.memory_space<hbm>>
        %dma_wait3A_76 = tpu.memref_slice %arg3[%mul3A_66] : memref<320000xi32, #tpu.memory_space<hbm>> -> memref<128xi32, #tpu.memory_space<hbm>>
        tpu.wait_dma2 semaphore(%run_scoped3A : memref<!tpu.dma_semaphore, #tpu.memory_space<semaphore_mem>>) src(%dma_wait3A_76 : memref<128xi32, #tpu.memory_space<hbm>>) dst(%arg8 : memref<128xi32, #tpu.memory_space<vmem>>)
        tpu.yield
      }) : () -> ()
      %mul3A_67 = arith.constant 128 : i32
      %mul3A_68 = arith.muli %while3A_64, %mul3A_67 : i32
      "tpu.region"() ({
        %run_scoped3A = tpu.sem_alloc : memref<!tpu.dma_semaphore, #tpu.memory_space<semaphore_mem>>
        %dma_start3A_73 = tpu.memref_slice %arg4[%mul3A_68] : memref<320000xi32, #tpu.memory_space<hbm>> -> memref<128xi32, #tpu.memory_space<hbm>>
        %dma_start3A_74 = tpu.memref_slice %arg4[%mul3A_68] : memref<320000xi32, #tpu.memory_space<hbm>> -> memref<128xi32, #tpu.memory_space<hbm>>
        tpu.enqueue_dma source(%dma_start3A_74 : memref<128xi32, #tpu.memory_space<hbm>>) target(%arg9 : memref<128xi32, #tpu.memory_space<vmem>>) target_semaphore(%run_scoped3A : memref<!tpu.dma_semaphore, #tpu.memory_space<semaphore_mem>>)
        %dma_wait3A_75 = tpu.memref_slice %arg4[%mul3A_68] : memref<320000xi32, #tpu.memory_space<hbm>> -> memref<128xi32, #tpu.memory_space<hbm>>
        %dma_wait3A_76 = tpu.memref_slice %arg4[%mul3A_68] : memref<320000xi32, #tpu.memory_space<hbm>> -> memref<128xi32, #tpu.memory_space<hbm>>
        tpu.wait_dma2 semaphore(%run_scoped3A : memref<!tpu.dma_semaphore, #tpu.memory_space<semaphore_mem>>) src(%dma_wait3A_76 : memref<128xi32, #tpu.memory_space<hbm>>) dst(%arg9 : memref<128xi32, #tpu.memory_space<vmem>>)
        tpu.yield
      }) : () -> ()
      %dma_start3A = arith.constant 0 : i32
      %dma_start3A_69 = arith.constant 0 : i32
      %dma_start3A_70 = tpu.memref_slice %arg2[%dma_start3A, %dma_start3A_69] : memref<10000x128xf32, #tpu.memory_space<hbm>> -> memref<10000x128xf32, #tpu.memory_space<hbm>>
      tpu.enqueue_indirect_dma source(%dma_start3A_70 : memref<10000x128xf32, #tpu.memory_space<hbm>>) target(%arg10 : memref<128x128xf32, #tpu.memory_space<vmem>>) offsets(%arg8 : memref<128xi32, #tpu.memory_space<vmem>>) semaphore(%arg11 : memref<!tpu.dma_semaphore, #tpu.memory_space<semaphore_mem>>)
      %dma_wait3A = arith.constant 0 : i32
      %dma_wait3A_71 = arith.constant 0 : i32
      %dma_wait3A_72 = tpu.memref_slice %arg2[%dma_wait3A, %dma_wait3A_71] : memref<10000x128xf32, #tpu.memory_space<hbm>> -> memref<10000x128xf32, #tpu.memory_space<hbm>>
      tpu.wait_indirect_dma semaphore(%arg11 : memref<!tpu.dma_semaphore, #tpu.memory_space<semaphore_mem>>) src(%dma_wait3A_72 : memref<10000x128xf32, #tpu.memory_space<hbm>>) dst(%arg10 : memref<128x128xf32, #tpu.memory_space<vmem>>)
      "tpu.region"() ({
        %run_scoped3A = tpu.sem_alloc : memref<!tpu.dma_semaphore, #tpu.memory_space<semaphore_mem>>
        %dma_start3A_73 = arith.constant 0 : i32
        %dma_start3A_74 = arith.constant 0 : i32
        %dma_start3A_75 = tpu.memref_slice %arg7[%dma_start3A_73, %dma_start3A_74] : memref<10240x128xf32, #tpu.memory_space<vmem_shared>> -> memref<10240x128xf32, #tpu.memory_space<vmem_shared>>
        tpu.enqueue_indirect_dma source(%arg10 : memref<128x128xf32, #tpu.memory_space<vmem>>) target(%dma_start3A_75 : memref<10240x128xf32, #tpu.memory_space<vmem_shared>>) offsets(%arg9 : memref<128xi32, #tpu.memory_space<vmem>>) semaphore(%run_scoped3A : memref<!tpu.dma_semaphore, #tpu.memory_space<semaphore_mem>>) {add = true}
        %dma_wait3A_76 = arith.constant 0 : i32
        %dma_wait3A_77 = arith.constant 0 : i32
        %dma_wait3A_78 = tpu.memref_slice %arg7[%dma_wait3A_76, %dma_wait3A_77] : memref<10240x128xf32, #tpu.memory_space<vmem_shared>> -> memref<10240x128xf32, #tpu.memory_space<vmem_shared>>
        tpu.wait_indirect_dma semaphore(%run_scoped3A : memref<!tpu.dma_semaphore, #tpu.memory_space<semaphore_mem>>) src(%arg10 : memref<128x128xf32, #tpu.memory_space<vmem>>) dst(%dma_wait3A_78 : memref<10240x128xf32, #tpu.memory_space<vmem_shared>>)
        tpu.yield
      }) : () -> ()
    }
    %barrier3A_59 = arith.constant 0 : index
    tpu.barrier barrier_id(%barrier3A_59)
    %mul3A_60 = arith.constant 640 : i32
    %mul3A_61 = arith.muli %arg1, %mul3A_60 : i32
    %mul3A_62 = arith.constant 640 : i32
    %mul3A_63 = arith.muli %arg1, %mul3A_62 : i32
    "tpu.region"() ({
      %run_scoped3A = tpu.sem_alloc : memref<!tpu.dma_semaphore, #tpu.memory_space<semaphore_mem>>
      %dma_start3A = arith.constant 0 : i32
      %dma_start3A_64 = tpu.memref_slice %arg6[%arg0, %mul3A_63, %dma_start3A] : memref<2x10240x128xf32, #tpu.memory_space<hbm>> -> memref<1x640x128xf32, #tpu.memory_space<hbm>>
      %dma_start3A_65 = tpu.memref_squeeze %dma_start3A_64 : memref<1x640x128xf32, #tpu.memory_space<hbm>> -> memref<640x128xf32, #tpu.memory_space<hbm>>
      %dma_start3A_66 = arith.constant 0 : i32
      %dma_start3A_67 = tpu.memref_slice %arg7[%mul3A_61, %dma_start3A_66] : memref<10240x128xf32, #tpu.memory_space<vmem_shared>> -> memref<640x128xf32, #tpu.memory_space<vmem_shared>>
      tpu.enqueue_dma source(%dma_start3A_67 : memref<640x128xf32, #tpu.memory_space<vmem_shared>>) target(%dma_start3A_65 : memref<640x128xf32, #tpu.memory_space<hbm>>) target_semaphore(%run_scoped3A : memref<!tpu.dma_semaphore, #tpu.memory_space<semaphore_mem>>)
      %dma_wait3A = arith.constant 0 : i32
      %dma_wait3A_68 = tpu.memref_slice %arg6[%arg0, %mul3A_63, %dma_wait3A] : memref<2x10240x128xf32, #tpu.memory_space<hbm>> -> memref<1x640x128xf32, #tpu.memory_space<hbm>>
      %dma_wait3A_69 = tpu.memref_squeeze %dma_wait3A_68 : memref<1x640x128xf32, #tpu.memory_space<hbm>> -> memref<640x128xf32, #tpu.memory_space<hbm>>
      %dma_wait3A_70 = arith.constant 0 : i32
      %dma_wait3A_71 = tpu.memref_slice %arg7[%mul3A_61, %dma_wait3A_70] : memref<10240x128xf32, #tpu.memory_space<vmem_shared>> -> memref<640x128xf32, #tpu.memory_space<vmem_shared>>
      tpu.wait_dma2 semaphore(%run_scoped3A : memref<!tpu.dma_semaphore, #tpu.memory_space<semaphore_mem>>) src(%dma_wait3A_71 : memref<640x128xf32, #tpu.memory_space<vmem_shared>>) dst(%dma_wait3A_69 : memref<640x128xf32, #tpu.memory_space<hbm>>)
      tpu.yield
    }) : () -> ()
    return
  }
}

#map = affine_map<(d0, d1) -> (0, 0)>
#map1 = affine_map<(d0, d1) -> (0)>
#map2 = affine_map<(d0, d1) -> (0, 0, 0)>
module attributes {stable_mosaic.version = 14 : i64} {
  func.func @sc_agg(%arg0: i32, %arg1: i32, %arg2: memref<10000x128xf32, #tpu.memory_space<hbm>>, %arg3: memref<320000xi32, #tpu.memory_space<hbm>>, %arg4: memref<320000xi32, #tpu.memory_space<hbm>>, %arg5: memref<10240x128xf32, #tpu.memory_space<hbm>>, %arg6: memref<2x10240x128xf32, #tpu.memory_space<hbm>>, %arg7: memref<10240x128xf32, #tpu.memory_space<vmem_shared>>, %arg8: memref<128xi32, #tpu.memory_space<vmem>>, %arg9: memref<128xi32, #tpu.memory_space<vmem>>, %arg10: memref<128x128xf32, #tpu.memory_space<vmem>>, %arg11: memref<!tpu.dma_semaphore, #tpu.memory_space<semaphore_mem>>) attributes {dimension_semantics = [#tpu.dimension_semantics<core_parallel>, #tpu.dimension_semantics<subcore_parallel>], iteration_bounds = array<i64: 2, 16>, scalar_prefetch = 0 : i64, scratch_operands = 5 : i64, tpu.core_type = #tpu.core_type<sc_vector_subcore>, window_params = [{transform_indices = #map}, {transform_indices = #map1}, {transform_indices = #map1}, {transform_indices = #map}, {transform_indices = #map2}]} {
    %mul3A = arith.constant 16 : i32
    %mul3A_0 = arith.muli %arg0, %mul3A : i32
    %add3A = arith.addi %mul3A_0, %arg1 : i32
    %mul3A_1 = arith.constant 640 : i32
    %mul3A_2 = arith.muli %arg1, %mul3A_1 : i32
    %mul3A_3 = arith.constant 640 : i32
    %mul3A_4 = arith.muli %arg1, %mul3A_3 : i32
    "tpu.region"() ({
      %run_scoped3A = tpu.sem_alloc : memref<!tpu.dma_semaphore, #tpu.memory_space<semaphore_mem>>
      %dma_start3A = arith.constant 0 : i32
      %dma_start3A_64 = tpu.memref_slice %arg7[%mul3A_4, %dma_start3A] : memref<10240x128xf32, #tpu.memory_space<vmem_shared>> -> memref<640x128xf32, #tpu.memory_space<vmem_shared>>
      %dma_start3A_65 = arith.constant 0 : i32
      %dma_start3A_66 = tpu.memref_slice %arg5[%mul3A_2, %dma_start3A_65] : memref<10240x128xf32, #tpu.memory_space<hbm>> -> memref<640x128xf32, #tpu.memory_space<hbm>>
      tpu.enqueue_dma source(%dma_start3A_66 : memref<640x128xf32, #tpu.memory_space<hbm>>) target(%dma_start3A_64 : memref<640x128xf32, #tpu.memory_space<vmem_shared>>) target_semaphore(%run_scoped3A : memref<!tpu.dma_semaphore, #tpu.memory_space<semaphore_mem>>)
      %dma_wait3A = arith.constant 0 : i32
      %dma_wait3A_67 = tpu.memref_slice %arg7[%mul3A_4, %dma_wait3A] : memref<10240x128xf32, #tpu.memory_space<vmem_shared>> -> memref<640x128xf32, #tpu.memory_space<vmem_shared>>
      %dma_wait3A_68 = arith.constant 0 : i32
      %dma_wait3A_69 = tpu.memref_slice %arg5[%mul3A_2, %dma_wait3A_68] : memref<10240x128xf32, #tpu.memory_space<hbm>> -> memref<640x128xf32, #tpu.memory_space<hbm>>
      tpu.wait_dma2 semaphore(%run_scoped3A : memref<!tpu.dma_semaphore, #tpu.memory_space<semaphore_mem>>) src(%dma_wait3A_69 : memref<640x128xf32, #tpu.memory_space<hbm>>) dst(%dma_wait3A_67 : memref<640x128xf32, #tpu.memory_space<vmem_shared>>)
      tpu.yield
    }) : () -> ()
    %barrier3A = arith.constant 0 : index
    tpu.barrier barrier_id(%barrier3A)
    %mul3A_5 = arith.constant 2500 : i32
    %mul3A_6 = arith.muli %add3A, %mul3A_5 : i32
    %jit3A = arith.constant 32 : i32
    %div3A = arith.divsi %mul3A_6, %jit3A : i32
    %sign3A = arith.constant 0 : i32
    %sign3A_7 = arith.cmpi sgt, %mul3A_6, %sign3A : i32
    %sign3A_8 = arith.extui %sign3A_7 : i1 to i32
    %sign3A_9 = arith.constant 0 : i32
    %sign3A_10 = arith.cmpi slt, %mul3A_6, %sign3A_9 : i32
    %sign3A_11 = arith.extui %sign3A_10 : i1 to i32
    %sign3A_12 = arith.subi %sign3A_8, %sign3A_11 : i32
    %sign3A_13 = arith.constant 0 : i32
    %sign3A_14 = arith.cmpi sgt, %jit3A, %sign3A_13 : i32
    %sign3A_15 = arith.extui %sign3A_14 : i1 to i32
    %sign3A_16 = arith.constant 0 : i32
    %sign3A_17 = arith.cmpi slt, %jit3A, %sign3A_16 : i32
    %sign3A_18 = arith.extui %sign3A_17 : i1 to i32
    %sign3A_19 = arith.subi %sign3A_15, %sign3A_18 : i32
    %ne3A = arith.cmpi ne, %sign3A_12, %sign3A_19 : i32
    %rem3A = arith.remsi %mul3A_6, %jit3A : i32
    %ne3A_20 = arith.constant 0 : i32
    %ne3A_21 = arith.cmpi ne, %rem3A, %ne3A_20 : i32
    %and3A = arith.andi %ne3A, %ne3A_21 : i1
    %sub3A = arith.constant 1 : i32
    %sub3A_22 = arith.subi %div3A, %sub3A : i32
    %select_n3A = arith.select %and3A, %sub3A_22, %div3A : i32
    %add3A_23 = arith.constant 1 : i32
    %add3A_24 = arith.addi %add3A, %add3A_23 : i32
    %mul3A_25 = arith.constant 2500 : i32
    %mul3A_26 = arith.muli %add3A_24, %mul3A_25 : i32
    %jit3A_27 = arith.constant 32 : i32
    %div3A_28 = arith.divsi %mul3A_26, %jit3A_27 : i32
    %sign3A_29 = arith.constant 0 : i32
    %sign3A_30 = arith.cmpi sgt, %mul3A_26, %sign3A_29 : i32
    %sign3A_31 = arith.extui %sign3A_30 : i1 to i32
    %sign3A_32 = arith.constant 0 : i32
    %sign3A_33 = arith.cmpi slt, %mul3A_26, %sign3A_32 : i32
    %sign3A_34 = arith.extui %sign3A_33 : i1 to i32
    %sign3A_35 = arith.subi %sign3A_31, %sign3A_34 : i32
    %sign3A_36 = arith.constant 0 : i32
    %sign3A_37 = arith.cmpi sgt, %jit3A_27, %sign3A_36 : i32
    %sign3A_38 = arith.extui %sign3A_37 : i1 to i32
    %sign3A_39 = arith.constant 0 : i32
    %sign3A_40 = arith.cmpi slt, %jit3A_27, %sign3A_39 : i32
    %sign3A_41 = arith.extui %sign3A_40 : i1 to i32
    %sign3A_42 = arith.subi %sign3A_38, %sign3A_41 : i32
    %ne3A_43 = arith.cmpi ne, %sign3A_35, %sign3A_42 : i32
    %rem3A_44 = arith.remsi %mul3A_26, %jit3A_27 : i32
    %ne3A_45 = arith.constant 0 : i32
    %ne3A_46 = arith.cmpi ne, %rem3A_44, %ne3A_45 : i32
    %and3A_47 = arith.andi %ne3A_43, %ne3A_46 : i1
    %sub3A_48 = arith.constant 1 : i32
    %sub3A_49 = arith.subi %div3A_28, %sub3A_48 : i32
    %select_n3A_50 = arith.select %and3A_47, %sub3A_49, %div3A_28 : i32
    %while3A = arith.constant 0 : i32
    %while3A_51 = arith.subi %select_n3A_50, %select_n3A : i32
    %while3A_52 = arith.addi %select_n3A, %while3A_51 : i32
    %while3A_53 = arith.constant 1 : i32
    %while3A_54 = arith.divsi %while3A_51, %while3A_53 : i32
    %while3A_55 = arith.muli %while3A_54, %while3A_53 : i32
    %while3A_56 = arith.addi %select_n3A, %while3A_55 : i32
    %while3A_57 = arith.constant 1 : i32
    scf.for %while3A_64 = %select_n3A to %while3A_56 step %while3A_57  : i32 {
      %mul3A_65 = arith.constant 128 : i32
      %mul3A_66 = arith.muli %while3A_64, %mul3A_65 : i32
      "tpu.region"() ({
        %run_scoped3A = tpu.sem_alloc : memref<!tpu.dma_semaphore, #tpu.memory_space<semaphore_mem>>
        %dma_start3A_73 = tpu.memref_slice %arg3[%mul3A_66] : memref<320000xi32, #tpu.memory_space<hbm>> -> memref<128xi32, #tpu.memory_space<hbm>>
        %dma_start3A_74 = tpu.memref_slice %arg3[%mul3A_66] : memref<320000xi32, #tpu.memory_space<hbm>> -> memref<128xi32, #tpu.memory_space<hbm>>
        tpu.enqueue_dma source(%dma_start3A_74 : memref<128xi32, #tpu.memory_space<hbm>>) target(%arg8 : memref<128xi32, #tpu.memory_space<vmem>>) target_semaphore(%run_scoped3A : memref<!tpu.dma_semaphore, #tpu.memory_space<semaphore_mem>>)
        %dma_wait3A_75 = tpu.memref_slice %arg3[%mul3A_66] : memref<320000xi32, #tpu.memory_space<hbm>> -> memref<128xi32, #tpu.memory_space<hbm>>
        %dma_wait3A_76 = tpu.memref_slice %arg3[%mul3A_66] : memref<320000xi32, #tpu.memory_space<hbm>> -> memref<128xi32, #tpu.memory_space<hbm>>
        tpu.wait_dma2 semaphore(%run_scoped3A : memref<!tpu.dma_semaphore, #tpu.memory_space<semaphore_mem>>) src(%dma_wait3A_76 : memref<128xi32, #tpu.memory_space<hbm>>) dst(%arg8 : memref<128xi32, #tpu.memory_space<vmem>>)
        tpu.yield
      }) : () -> ()
      %mul3A_67 = arith.constant 128 : i32
      %mul3A_68 = arith.muli %while3A_64, %mul3A_67 : i32
      "tpu.region"() ({
        %run_scoped3A = tpu.sem_alloc : memref<!tpu.dma_semaphore, #tpu.memory_space<semaphore_mem>>
        %dma_start3A_73 = tpu.memref_slice %arg4[%mul3A_68] : memref<320000xi32, #tpu.memory_space<hbm>> -> memref<128xi32, #tpu.memory_space<hbm>>
        %dma_start3A_74 = tpu.memref_slice %arg4[%mul3A_68] : memref<320000xi32, #tpu.memory_space<hbm>> -> memref<128xi32, #tpu.memory_space<hbm>>
        tpu.enqueue_dma source(%dma_start3A_74 : memref<128xi32, #tpu.memory_space<hbm>>) target(%arg9 : memref<128xi32, #tpu.memory_space<vmem>>) target_semaphore(%run_scoped3A : memref<!tpu.dma_semaphore, #tpu.memory_space<semaphore_mem>>)
        %dma_wait3A_75 = tpu.memref_slice %arg4[%mul3A_68] : memref<320000xi32, #tpu.memory_space<hbm>> -> memref<128xi32, #tpu.memory_space<hbm>>
        %dma_wait3A_76 = tpu.memref_slice %arg4[%mul3A_68] : memref<320000xi32, #tpu.memory_space<hbm>> -> memref<128xi32, #tpu.memory_space<hbm>>
        tpu.wait_dma2 semaphore(%run_scoped3A : memref<!tpu.dma_semaphore, #tpu.memory_space<semaphore_mem>>) src(%dma_wait3A_76 : memref<128xi32, #tpu.memory_space<hbm>>) dst(%arg9 : memref<128xi32, #tpu.memory_space<vmem>>)
        tpu.yield
      }) : () -> ()
      %dma_start3A = arith.constant 0 : i32
      %dma_start3A_69 = arith.constant 0 : i32
      %dma_start3A_70 = tpu.memref_slice %arg2[%dma_start3A, %dma_start3A_69] : memref<10000x128xf32, #tpu.memory_space<hbm>> -> memref<10000x128xf32, #tpu.memory_space<hbm>>
      tpu.enqueue_indirect_dma source(%dma_start3A_70 : memref<10000x128xf32, #tpu.memory_space<hbm>>) target(%arg10 : memref<128x128xf32, #tpu.memory_space<vmem>>) offsets(%arg8 : memref<128xi32, #tpu.memory_space<vmem>>) semaphore(%arg11 : memref<!tpu.dma_semaphore, #tpu.memory_space<semaphore_mem>>)
      %dma_wait3A = arith.constant 0 : i32
      %dma_wait3A_71 = arith.constant 0 : i32
      %dma_wait3A_72 = tpu.memref_slice %arg2[%dma_wait3A, %dma_wait3A_71] : memref<10000x128xf32, #tpu.memory_space<hbm>> -> memref<10000x128xf32, #tpu.memory_space<hbm>>
      tpu.wait_indirect_dma semaphore(%arg11 : memref<!tpu.dma_semaphore, #tpu.memory_space<semaphore_mem>>) src(%dma_wait3A_72 : memref<10000x128xf32, #tpu.memory_space<hbm>>) dst(%arg10 : memref<128x128xf32, #tpu.memory_space<vmem>>)
      "tpu.region"() ({
        %run_scoped3A = tpu.sem_alloc : memref<!tpu.dma_semaphore, #tpu.memory_space<semaphore_mem>>
        %dma_start3A_73 = arith.constant 0 : i32
        %dma_start3A_74 = arith.constant 0 : i32
        %dma_start3A_75 = tpu.memref_slice %arg7[%dma_start3A_73, %dma_start3A_74] : memref<10240x128xf32, #tpu.memory_space<vmem_shared>> -> memref<10240x128xf32, #tpu.memory_space<vmem_shared>>
        tpu.enqueue_indirect_dma source(%arg10 : memref<128x128xf32, #tpu.memory_space<vmem>>) target(%dma_start3A_75 : memref<10240x128xf32, #tpu.memory_space<vmem_shared>>) offsets(%arg9 : memref<128xi32, #tpu.memory_space<vmem>>) semaphore(%run_scoped3A : memref<!tpu.dma_semaphore, #tpu.memory_space<semaphore_mem>>) {add = true}
        %dma_wait3A_76 = arith.constant 0 : i32
        %dma_wait3A_77 = arith.constant 0 : i32
        %dma_wait3A_78 = tpu.memref_slice %arg7[%dma_wait3A_76, %dma_wait3A_77] : memref<10240x128xf32, #tpu.memory_space<vmem_shared>> -> memref<10240x128xf32, #tpu.memory_space<vmem_shared>>
        tpu.wait_indirect_dma semaphore(%run_scoped3A : memref<!tpu.dma_semaphore, #tpu.memory_space<semaphore_mem>>) src(%arg10 : memref<128x128xf32, #tpu.memory_space<vmem>>) dst(%dma_wait3A_78 : memref<10240x128xf32, #tpu.memory_space<vmem_shared>>)
        tpu.yield
      }) : () -> ()
    }
    %while3A_58 = arith.constant 1 : i32
    scf.for %while3A_64 = %while3A_56 to %while3A_52 step %while3A_58  : i32 {
      %mul3A_65 = arith.constant 128 : i32
      %mul3A_66 = arith.muli %while3A_64, %mul3A_65 : i32
      "tpu.region"() ({
        %run_scoped3A = tpu.sem_alloc : memref<!tpu.dma_semaphore, #tpu.memory_space<semaphore_mem>>
        %dma_start3A_73 = tpu.memref_slice %arg3[%mul3A_66] : memref<320000xi32, #tpu.memory_space<hbm>> -> memref<128xi32, #tpu.memory_space<hbm>>
        %dma_start3A_74 = tpu.memref_slice %arg3[%mul3A_66] : memref<320000xi32, #tpu.memory_space<hbm>> -> memref<128xi32, #tpu.memory_space<hbm>>
        tpu.enqueue_dma source(%dma_start3A_74 : memref<128xi32, #tpu.memory_space<hbm>>) target(%arg8 : memref<128xi32, #tpu.memory_space<vmem>>) target_semaphore(%run_scoped3A : memref<!tpu.dma_semaphore, #tpu.memory_space<semaphore_mem>>)
        %dma_wait3A_75 = tpu.memref_slice %arg3[%mul3A_66] : memref<320000xi32, #tpu.memory_space<hbm>> -> memref<128xi32, #tpu.memory_space<hbm>>
        %dma_wait3A_76 = tpu.memref_slice %arg3[%mul3A_66] : memref<320000xi32, #tpu.memory_space<hbm>> -> memref<128xi32, #tpu.memory_space<hbm>>
        tpu.wait_dma2 semaphore(%run_scoped3A : memref<!tpu.dma_semaphore, #tpu.memory_space<semaphore_mem>>) src(%dma_wait3A_76 : memref<128xi32, #tpu.memory_space<hbm>>) dst(%arg8 : memref<128xi32, #tpu.memory_space<vmem>>)
        tpu.yield
      }) : () -> ()
      %mul3A_67 = arith.constant 128 : i32
      %mul3A_68 = arith.muli %while3A_64, %mul3A_67 : i32
      "tpu.region"() ({
        %run_scoped3A = tpu.sem_alloc : memref<!tpu.dma_semaphore, #tpu.memory_space<semaphore_mem>>
        %dma_start3A_73 = tpu.memref_slice %arg4[%mul3A_68] : memref<320000xi32, #tpu.memory_space<hbm>> -> memref<128xi32, #tpu.memory_space<hbm>>
        %dma_start3A_74 = tpu.memref_slice %arg4[%mul3A_68] : memref<320000xi32, #tpu.memory_space<hbm>> -> memref<128xi32, #tpu.memory_space<hbm>>
        tpu.enqueue_dma source(%dma_start3A_74 : memref<128xi32, #tpu.memory_space<hbm>>) target(%arg9 : memref<128xi32, #tpu.memory_space<vmem>>) target_semaphore(%run_scoped3A : memref<!tpu.dma_semaphore, #tpu.memory_space<semaphore_mem>>)
        %dma_wait3A_75 = tpu.memref_slice %arg4[%mul3A_68] : memref<320000xi32, #tpu.memory_space<hbm>> -> memref<128xi32, #tpu.memory_space<hbm>>
        %dma_wait3A_76 = tpu.memref_slice %arg4[%mul3A_68] : memref<320000xi32, #tpu.memory_space<hbm>> -> memref<128xi32, #tpu.memory_space<hbm>>
        tpu.wait_dma2 semaphore(%run_scoped3A : memref<!tpu.dma_semaphore, #tpu.memory_space<semaphore_mem>>) src(%dma_wait3A_76 : memref<128xi32, #tpu.memory_space<hbm>>) dst(%arg9 : memref<128xi32, #tpu.memory_space<vmem>>)
        tpu.yield
      }) : () -> ()
      %dma_start3A = arith.constant 0 : i32
      %dma_start3A_69 = arith.constant 0 : i32
      %dma_start3A_70 = tpu.memref_slice %arg2[%dma_start3A, %dma_start3A_69] : memref<10000x128xf32, #tpu.memory_space<hbm>> -> memref<10000x128xf32, #tpu.memory_space<hbm>>
      tpu.enqueue_indirect_dma source(%dma_start3A_70 : memref<10000x128xf32, #tpu.memory_space<hbm>>) target(%arg10 : memref<128x128xf32, #tpu.memory_space<vmem>>) offsets(%arg8 : memref<128xi32, #tpu.memory_space<vmem>>) semaphore(%arg11 : memref<!tpu.dma_semaphore, #tpu.memory_space<semaphore_mem>>)
      %dma_wait3A = arith.constant 0 : i32
      %dma_wait3A_71 = arith.constant 0 : i32
      %dma_wait3A_72 = tpu.memref_slice %arg2[%dma_wait3A, %dma_wait3A_71] : memref<10000x128xf32, #tpu.memory_space<hbm>> -> memref<10000x128xf32, #tpu.memory_space<hbm>>
      tpu.wait_indirect_dma semaphore(%arg11 : memref<!tpu.dma_semaphore, #tpu.memory_space<semaphore_mem>>) src(%dma_wait3A_72 : memref<10000x128xf32, #tpu.memory_space<hbm>>) dst(%arg10 : memref<128x128xf32, #tpu.memory_space<vmem>>)
      "tpu.region"() ({
        %run_scoped3A = tpu.sem_alloc : memref<!tpu.dma_semaphore, #tpu.memory_space<semaphore_mem>>
        %dma_start3A_73 = arith.constant 0 : i32
        %dma_start3A_74 = arith.constant 0 : i32
        %dma_start3A_75 = tpu.memref_slice %arg7[%dma_start3A_73, %dma_start3A_74] : memref<10240x128xf32, #tpu.memory_space<vmem_shared>> -> memref<10240x128xf32, #tpu.memory_space<vmem_shared>>
        tpu.enqueue_indirect_dma source(%arg10 : memref<128x128xf32, #tpu.memory_space<vmem>>) target(%dma_start3A_75 : memref<10240x128xf32, #tpu.memory_space<vmem_shared>>) offsets(%arg9 : memref<128xi32, #tpu.memory_space<vmem>>) semaphore(%run_scoped3A : memref<!tpu.dma_semaphore, #tpu.memory_space<semaphore_mem>>) {add = true}
        %dma_wait3A_76 = arith.constant 0 : i32
        %dma_wait3A_77 = arith.constant 0 : i32
        %dma_wait3A_78 = tpu.memref_slice %arg7[%dma_wait3A_76, %dma_wait3A_77] : memref<10240x128xf32, #tpu.memory_space<vmem_shared>> -> memref<10240x128xf32, #tpu.memory_space<vmem_shared>>
        tpu.wait_indirect_dma semaphore(%run_scoped3A : memref<!tpu.dma_semaphore, #tpu.memory_space<semaphore_mem>>) src(%arg10 : memref<128x128xf32, #tpu.memory_space<vmem>>) dst(%dma_wait3A_78 : memref<10240x128xf32, #tpu.memory_space<vmem_shared>>)
        tpu.yield
      }) : () -> ()
    }
    %barrier3A_59 = arith.constant 0 : index
    tpu.barrier barrier_id(%barrier3A_59)
    %mul3A_60 = arith.constant 640 : i32
    %mul3A_61 = arith.muli %arg1, %mul3A_60 : i32
    %mul3A_62 = arith.constant 640 : i32
    %mul3A_63 = arith.muli %arg1, %mul3A_62 : i32
    "tpu.region"() ({
      %run_scoped3A = tpu.sem_alloc : memref<!tpu.dma_semaphore, #tpu.memory_space<semaphore_mem>>
      %dma_start3A = arith.constant 0 : i32
      %dma_start3A_64 = tpu.memref_slice %arg6[%arg0, %mul3A_63, %dma_start3A] : memref<2x10240x128xf32, #tpu.memory_space<hbm>> -> memref<1x640x128xf32, #tpu.memory_space<hbm>>
      %dma_start3A_65 = tpu.memref_squeeze %dma_start3A_64 : memref<1x640x128xf32, #tpu.memory_space<hbm>> -> memref<640x128xf32, #tpu.memory_space<hbm>>
      %dma_start3A_66 = arith.constant 0 : i32
      %dma_start3A_67 = tpu.memref_slice %arg7[%mul3A_61, %dma_start3A_66] : memref<10240x128xf32, #tpu.memory_space<vmem_shared>> -> memref<640x128xf32, #tpu.memory_space<vmem_shared>>
      tpu.enqueue_dma source(%dma_start3A_67 : memref<640x128xf32, #tpu.memory_space<vmem_shared>>) target(%dma_start3A_65 : memref<640x128xf32, #tpu.memory_space<hbm>>) target_semaphore(%run_scoped3A : memref<!tpu.dma_semaphore, #tpu.memory_space<semaphore_mem>>)
      %dma_wait3A = arith.constant 0 : i32
      %dma_wait3A_68 = tpu.memref_slice %arg6[%arg0, %mul3A_63, %dma_wait3A] : memref<2x10240x128xf32, #tpu.memory_space<hbm>> -> memref<1x640x128xf32, #tpu.memory_space<hbm>>
      %dma_wait3A_69 = tpu.memref_squeeze %dma_wait3A_68 : memref<1x640x128xf32, #tpu.memory_space<hbm>> -> memref<640x128xf32, #tpu.memory_space<hbm>>
      %dma_wait3A_70 = arith.constant 0 : i32
      %dma_wait3A_71 = tpu.memref_slice %arg7[%mul3A_61, %dma_wait3A_70] : memref<10240x128xf32, #tpu.memory_space<vmem_shared>> -> memref<640x128xf32, #tpu.memory_space<vmem_shared>>
      tpu.wait_dma2 semaphore(%run_scoped3A : memref<!tpu.dma_semaphore, #tpu.memory_space<semaphore_mem>>) src(%dma_wait3A_71 : memref<640x128xf32, #tpu.memory_space<vmem_shared>>) dst(%dma_wait3A_69 : memref<640x128xf32, #tpu.memory_space<hbm>>)
      tpu.yield
    }) : () -> ()
    return
  }
}

module attributes {stable_mosaic.version = 14 : i64} {
  func.func @_enc_body(%arg0: memref<10000x128xf32, #tpu.memory_space<vmem>>, %arg1: memref<128x128xf32, #tpu.memory_space<vmem>>, %arg2: memref<1x128xf32, #tpu.memory_space<vmem>>, %arg3: memref<10000x128xf32, #tpu.memory_space<vmem>>) attributes {dimension_semantics = [], scalar_prefetch = 0 : i64, scratch_operands = 0 : i64, tpu.core_type = #tpu.core_type<tc>} {
    %get3A = arith.constant 0 : index
    %get3A_0 = arith.constant 0 : index
    %get3A_1 = vector.load %arg0[%get3A, %get3A_0] : memref<10000x128xf32, #tpu.memory_space<vmem>>, vector<10000x128xf32>
    %get3A_2 = arith.constant 0 : index
    %get3A_3 = arith.constant 0 : index
    %get3A_4 = vector.load %arg1[%get3A_2, %get3A_3] : memref<128x128xf32, #tpu.memory_space<vmem>>, vector<128x128xf32>
    %dot_general3A = arith.constant dense<0.000000e+00> : vector<10000x128xf32>
    %dot_general3A_5 = tpu.matmul %get3A_1, %get3A_4, %dot_general3A {dimension_numbers = #tpu.dot_dimension_numbers<[1], [0], [0], [1], [0, 0, 1, 1], [], []>, precision = #tpu.contract_precision<fp32>, transpose_lhs_hint = false} : vector<10000x128xf32>, vector<128x128xf32>, vector<10000x128xf32> -> vector<10000x128xf32>
    %get3A_6 = arith.constant 0 : index
    %get3A_7 = arith.constant 0 : index
    %get3A_8 = vector.load %arg2[%get3A_6, %get3A_7] : memref<1x128xf32, #tpu.memory_space<vmem>>, vector<1x128xf32>
    %add3A = vector.broadcast %get3A_8 : vector<1x128xf32> to vector<10000x128xf32>
    %add3A_9 = arith.addf %dot_general3A_5, %add3A : vector<10000x128xf32>
    %max3A = arith.constant 0.000000e+00 : f32
    %max3A_10 = vector.broadcast %max3A : f32 to vector<10000x128xf32>
    %max3A_11 = arith.maximumf %add3A_9, %max3A_10 : vector<10000x128xf32>
    %swap3A = arith.constant 0 : index
    %swap3A_12 = arith.constant 0 : index
    %swap3A_13 = vector.load %arg3[%swap3A, %swap3A_12] : memref<10000x128xf32, #tpu.memory_space<vmem>>, vector<10000x128xf32>
    tpu.vector_store %arg3[%swap3A, %swap3A_12], %max3A_11 {strides = array<i32>} : memref<10000x128xf32, #tpu.memory_space<vmem>>, vector<10000x128xf32>,
    return
  }
}

module attributes {stable_mosaic.version = 14 : i64} {
  func.func @_layer_body(%arg0: memref<10000x128xf32, #tpu.memory_space<vmem>>, %arg1: memref<2x10240x128xf32, #tpu.memory_space<vmem>>, %arg2: memref<2x10240x128xf32, #tpu.memory_space<vmem>>, %arg3: memref<128x128xf32, #tpu.memory_space<vmem>>, %arg4: memref<128x128xf32, #tpu.memory_space<vmem>>, %arg5: memref<1x128xf32, #tpu.memory_space<vmem>>, %arg6: memref<128x128xf32, #tpu.memory_space<vmem>>, %arg7: memref<1x128xf32, #tpu.memory_space<vmem>>, %arg8: memref<10000x128xf32, #tpu.memory_space<vmem>>) attributes {dimension_semantics = [], scalar_prefetch = 0 : i64, scratch_operands = 0 : i64, tpu.core_type = #tpu.core_type<tc>} {
    %get3A = arith.constant 0 : index
    %get3A_0 = arith.constant 0 : index
    %get3A_1 = arith.constant 0 : index
    %get3A_2 = vector.load %arg2[%get3A, %get3A_0, %get3A_1] : memref<2x10240x128xf32, #tpu.memory_space<vmem>>, vector<1x10000x1xf32>
    %get3A_3 = vector.shape_cast %get3A_2 : vector<1x10000x1xf32> to vector<10000x1xf32>
    %get3A_4 = arith.constant 1 : index
    %get3A_5 = arith.constant 0 : index
    %get3A_6 = arith.constant 0 : index
    %get3A_7 = vector.load %arg2[%get3A_4, %get3A_5, %get3A_6] : memref<2x10240x128xf32, #tpu.memory_space<vmem>>, vector<1x10000x1xf32>
    %get3A_8 = vector.shape_cast %get3A_7 : vector<1x10000x1xf32> to vector<10000x1xf32>
    %add3A = arith.addf %get3A_3, %get3A_8 : vector<10000x1xf32>
    %max3A = arith.constant 1.000000e+00 : f32
    %max3A_9 = vector.broadcast %max3A : f32 to vector<10000x1xf32>
    %max3A_10 = arith.maximumf %add3A, %max3A_9 : vector<10000x1xf32>
    %div3A = arith.constant 1.000000e+00 : f32
    %div3A_11 = vector.broadcast %div3A : f32 to vector<10000x1xf32>
    %div3A_12 = arith.divf %div3A_11, %max3A_10 : vector<10000x1xf32>
    %get3A_13 = arith.constant 0 : index
    %get3A_14 = arith.constant 0 : index
    %get3A_15 = arith.constant 0 : index
    %get3A_16 = vector.load %arg1[%get3A_13, %get3A_14, %get3A_15] : memref<2x10240x128xf32, #tpu.memory_space<vmem>>, vector<1x10000x128xf32>
    %get3A_17 = vector.shape_cast %get3A_16 : vector<1x10000x128xf32> to vector<10000x128xf32>
    %get3A_18 = arith.constant 1 : index
    %get3A_19 = arith.constant 0 : index
    %get3A_20 = arith.constant 0 : index
    %get3A_21 = vector.load %arg1[%get3A_18, %get3A_19, %get3A_20] : memref<2x10240x128xf32, #tpu.memory_space<vmem>>, vector<1x10000x128xf32>
    %get3A_22 = vector.shape_cast %get3A_21 : vector<1x10000x128xf32> to vector<10000x128xf32>
    %add3A_23 = arith.addf %get3A_17, %get3A_22 : vector<10000x128xf32>
    %mul3A = vector.broadcast %div3A_12 : vector<10000x1xf32> to vector<10000x128xf32>
    %mul3A_24 = arith.mulf %add3A_23, %mul3A : vector<10000x128xf32>
    %get3A_25 = arith.constant 0 : index
    %get3A_26 = arith.constant 0 : index
    %get3A_27 = vector.load %arg0[%get3A_25, %get3A_26] : memref<10000x128xf32, #tpu.memory_space<vmem>>, vector<10000x128xf32>
    %get3A_28 = arith.constant 0 : index
    %get3A_29 = arith.constant 0 : index
    %get3A_30 = vector.load %arg3[%get3A_28, %get3A_29] : memref<128x128xf32, #tpu.memory_space<vmem>>, vector<128x128xf32>
    %dot_general3A = arith.constant dense<0.000000e+00> : vector<10000x128xf32>
    %dot_general3A_31 = tpu.matmul %get3A_27, %get3A_30, %dot_general3A {dimension_numbers = #tpu.dot_dimension_numbers<[1], [0], [0], [1], [0, 0, 1, 1], [], []>, precision = #tpu.contract_precision<fp32>, transpose_lhs_hint = false} : vector<10000x128xf32>, vector<128x128xf32>, vector<10000x128xf32> -> vector<10000x128xf32>
    %get3A_32 = arith.constant 0 : index
    %get3A_33 = arith.constant 0 : index
    %get3A_34 = vector.load %arg4[%get3A_32, %get3A_33] : memref<128x128xf32, #tpu.memory_space<vmem>>, vector<128x128xf32>
    %dot_general3A_35 = arith.constant dense<0.000000e+00> : vector<10000x128xf32>
    %dot_general3A_36 = tpu.matmul %mul3A_24, %get3A_34, %dot_general3A_35 {dimension_numbers = #tpu.dot_dimension_numbers<[1], [0], [0], [1], [0, 0, 1, 1], [], []>, precision = #tpu.contract_precision<fp32>, transpose_lhs_hint = false} : vector<10000x128xf32>, vector<128x128xf32>, vector<10000x128xf32> -> vector<10000x128xf32>
    %add3A_37 = arith.addf %dot_general3A_31, %dot_general3A_36 : vector<10000x128xf32>
    %get3A_38 = arith.constant 0 : index
    %get3A_39 = arith.constant 0 : index
    %get3A_40 = vector.load %arg5[%get3A_38, %get3A_39] : memref<1x128xf32, #tpu.memory_space<vmem>>, vector<1x128xf32>
    %add3A_41 = vector.broadcast %get3A_40 : vector<1x128xf32> to vector<10000x128xf32>
    %add3A_42 = arith.addf %add3A_37, %add3A_41 : vector<10000x128xf32>
    %max3A_43 = arith.constant 0.000000e+00 : f32
    %max3A_44 = vector.broadcast %max3A_43 : f32 to vector<10000x128xf32>
    %max3A_45 = arith.maximumf %add3A_42, %max3A_44 : vector<10000x128xf32>
    %get3A_46 = arith.constant 0 : index
    %get3A_47 = arith.constant 0 : index
    %get3A_48 = vector.load %arg6[%get3A_46, %get3A_47] : memref<128x128xf32, #tpu.memory_space<vmem>>, vector<128x128xf32>
    %dot_general3A_49 = arith.constant dense<0.000000e+00> : vector<10000x128xf32>
    %dot_general3A_50 = tpu.matmul %max3A_45, %get3A_48, %dot_general3A_49 {dimension_numbers = #tpu.dot_dimension_numbers<[1], [0], [0], [1], [0, 0, 1, 1], [], []>, precision = #tpu.contract_precision<fp32>, transpose_lhs_hint = false} : vector<10000x128xf32>, vector<128x128xf32>, vector<10000x128xf32> -> vector<10000x128xf32>
    %get3A_51 = arith.constant 0 : index
    %get3A_52 = arith.constant 0 : index
    %get3A_53 = vector.load %arg7[%get3A_51, %get3A_52] : memref<1x128xf32, #tpu.memory_space<vmem>>, vector<1x128xf32>
    %add3A_54 = vector.broadcast %get3A_53 : vector<1x128xf32> to vector<10000x128xf32>
    %add3A_55 = arith.addf %dot_general3A_50, %add3A_54 : vector<10000x128xf32>
    %max3A_56 = arith.constant 0.000000e+00 : f32
    %max3A_57 = vector.broadcast %max3A_56 : f32 to vector<10000x128xf32>
    %max3A_58 = arith.maximumf %add3A_55, %max3A_57 : vector<10000x128xf32>
    %swap3A = arith.constant 0 : index
    %swap3A_59 = arith.constant 0 : index
    %swap3A_60 = vector.load %arg8[%swap3A, %swap3A_59] : memref<10000x128xf32, #tpu.memory_space<vmem>>, vector<10000x128xf32>
    tpu.vector_store %arg8[%swap3A, %swap3A_59], %max3A_58 {strides = array<i32>} : memref<10000x128xf32, #tpu.memory_space<vmem>>, vector<10000x128xf32>,
    return
  }
}

module attributes {stable_mosaic.version = 14 : i64} {
  func.func @_layer_body(%arg0: memref<10000x128xf32, #tpu.memory_space<vmem>>, %arg1: memref<2x10240x128xf32, #tpu.memory_space<vmem>>, %arg2: memref<2x10240x128xf32, #tpu.memory_space<vmem>>, %arg3: memref<128x128xf32, #tpu.memory_space<vmem>>, %arg4: memref<128x128xf32, #tpu.memory_space<vmem>>, %arg5: memref<1x128xf32, #tpu.memory_space<vmem>>, %arg6: memref<128x128xf32, #tpu.memory_space<vmem>>, %arg7: memref<1x128xf32, #tpu.memory_space<vmem>>, %arg8: memref<10000x128xf32, #tpu.memory_space<vmem>>) attributes {dimension_semantics = [], scalar_prefetch = 0 : i64, scratch_operands = 0 : i64, tpu.core_type = #tpu.core_type<tc>} {
    %get3A = arith.constant 0 : index
    %get3A_0 = arith.constant 0 : index
    %get3A_1 = arith.constant 0 : index
    %get3A_2 = vector.load %arg2[%get3A, %get3A_0, %get3A_1] : memref<2x10240x128xf32, #tpu.memory_space<vmem>>, vector<1x10000x1xf32>
    %get3A_3 = vector.shape_cast %get3A_2 : vector<1x10000x1xf32> to vector<10000x1xf32>
    %get3A_4 = arith.constant 1 : index
    %get3A_5 = arith.constant 0 : index
    %get3A_6 = arith.constant 0 : index
    %get3A_7 = vector.load %arg2[%get3A_4, %get3A_5, %get3A_6] : memref<2x10240x128xf32, #tpu.memory_space<vmem>>, vector<1x10000x1xf32>
    %get3A_8 = vector.shape_cast %get3A_7 : vector<1x10000x1xf32> to vector<10000x1xf32>
    %add3A = arith.addf %get3A_3, %get3A_8 : vector<10000x1xf32>
    %max3A = arith.constant 1.000000e+00 : f32
    %max3A_9 = vector.broadcast %max3A : f32 to vector<10000x1xf32>
    %max3A_10 = arith.maximumf %add3A, %max3A_9 : vector<10000x1xf32>
    %div3A = arith.constant 1.000000e+00 : f32
    %div3A_11 = vector.broadcast %div3A : f32 to vector<10000x1xf32>
    %div3A_12 = arith.divf %div3A_11, %max3A_10 : vector<10000x1xf32>
    %get3A_13 = arith.constant 0 : index
    %get3A_14 = arith.constant 0 : index
    %get3A_15 = arith.constant 0 : index
    %get3A_16 = vector.load %arg1[%get3A_13, %get3A_14, %get3A_15] : memref<2x10240x128xf32, #tpu.memory_space<vmem>>, vector<1x10000x128xf32>
    %get3A_17 = vector.shape_cast %get3A_16 : vector<1x10000x128xf32> to vector<10000x128xf32>
    %get3A_18 = arith.constant 1 : index
    %get3A_19 = arith.constant 0 : index
    %get3A_20 = arith.constant 0 : index
    %get3A_21 = vector.load %arg1[%get3A_18, %get3A_19, %get3A_20] : memref<2x10240x128xf32, #tpu.memory_space<vmem>>, vector<1x10000x128xf32>
    %get3A_22 = vector.shape_cast %get3A_21 : vector<1x10000x128xf32> to vector<10000x128xf32>
    %add3A_23 = arith.addf %get3A_17, %get3A_22 : vector<10000x128xf32>
    %mul3A = vector.broadcast %div3A_12 : vector<10000x1xf32> to vector<10000x128xf32>
    %mul3A_24 = arith.mulf %add3A_23, %mul3A : vector<10000x128xf32>
    %get3A_25 = arith.constant 0 : index
    %get3A_26 = arith.constant 0 : index
    %get3A_27 = vector.load %arg0[%get3A_25, %get3A_26] : memref<10000x128xf32, #tpu.memory_space<vmem>>, vector<10000x128xf32>
    %get3A_28 = arith.constant 0 : index
    %get3A_29 = arith.constant 0 : index
    %get3A_30 = vector.load %arg3[%get3A_28, %get3A_29] : memref<128x128xf32, #tpu.memory_space<vmem>>, vector<128x128xf32>
    %dot_general3A = arith.constant dense<0.000000e+00> : vector<10000x128xf32>
    %dot_general3A_31 = tpu.matmul %get3A_27, %get3A_30, %dot_general3A {dimension_numbers = #tpu.dot_dimension_numbers<[1], [0], [0], [1], [0, 0, 1, 1], [], []>, precision = #tpu.contract_precision<fp32>, transpose_lhs_hint = false} : vector<10000x128xf32>, vector<128x128xf32>, vector<10000x128xf32> -> vector<10000x128xf32>
    %get3A_32 = arith.constant 0 : index
    %get3A_33 = arith.constant 0 : index
    %get3A_34 = vector.load %arg4[%get3A_32, %get3A_33] : memref<128x128xf32, #tpu.memory_space<vmem>>, vector<128x128xf32>
    %dot_general3A_35 = arith.constant dense<0.000000e+00> : vector<10000x128xf32>
    %dot_general3A_36 = tpu.matmul %mul3A_24, %get3A_34, %dot_general3A_35 {dimension_numbers = #tpu.dot_dimension_numbers<[1], [0], [0], [1], [0, 0, 1, 1], [], []>, precision = #tpu.contract_precision<fp32>, transpose_lhs_hint = false} : vector<10000x128xf32>, vector<128x128xf32>, vector<10000x128xf32> -> vector<10000x128xf32>
    %add3A_37 = arith.addf %dot_general3A_31, %dot_general3A_36 : vector<10000x128xf32>
    %get3A_38 = arith.constant 0 : index
    %get3A_39 = arith.constant 0 : index
    %get3A_40 = vector.load %arg5[%get3A_38, %get3A_39] : memref<1x128xf32, #tpu.memory_space<vmem>>, vector<1x128xf32>
    %add3A_41 = vector.broadcast %get3A_40 : vector<1x128xf32> to vector<10000x128xf32>
    %add3A_42 = arith.addf %add3A_37, %add3A_41 : vector<10000x128xf32>
    %max3A_43 = arith.constant 0.000000e+00 : f32
    %max3A_44 = vector.broadcast %max3A_43 : f32 to vector<10000x128xf32>
    %max3A_45 = arith.maximumf %add3A_42, %max3A_44 : vector<10000x128xf32>
    %get3A_46 = arith.constant 0 : index
    %get3A_47 = arith.constant 0 : index
    %get3A_48 = vector.load %arg6[%get3A_46, %get3A_47] : memref<128x128xf32, #tpu.memory_space<vmem>>, vector<128x128xf32>
    %dot_general3A_49 = arith.constant dense<0.000000e+00> : vector<10000x128xf32>
    %dot_general3A_50 = tpu.matmul %max3A_45, %get3A_48, %dot_general3A_49 {dimension_numbers = #tpu.dot_dimension_numbers<[1], [0], [0], [1], [0, 0, 1, 1], [], []>, precision = #tpu.contract_precision<fp32>, transpose_lhs_hint = false} : vector<10000x128xf32>, vector<128x128xf32>, vector<10000x128xf32> -> vector<10000x128xf32>
    %get3A_51 = arith.constant 0 : index
    %get3A_52 = arith.constant 0 : index
    %get3A_53 = vector.load %arg7[%get3A_51, %get3A_52] : memref<1x128xf32, #tpu.memory_space<vmem>>, vector<1x128xf32>
    %add3A_54 = vector.broadcast %get3A_53 : vector<1x128xf32> to vector<10000x128xf32>
    %add3A_55 = arith.addf %dot_general3A_50, %add3A_54 : vector<10000x128xf32>
    %max3A_56 = arith.constant 0.000000e+00 : f32
    %max3A_57 = vector.broadcast %max3A_56 : f32 to vector<10000x128xf32>
    %max3A_58 = arith.maximumf %add3A_55, %max3A_57 : vector<10000x128xf32>
    %get3A_59 = arith.constant 0 : index
    %get3A_60 = arith.constant 0 : index
    %get3A_61 = vector.load %arg0[%get3A_59, %get3A_60] : memref<10000x128xf32, #tpu.memory_space<vmem>>, vector<10000x128xf32>
    %add3A_62 = arith.addf %max3A_58, %get3A_61 : vector<10000x128xf32>
    %swap3A = arith.constant 0 : index
    %swap3A_63 = arith.constant 0 : index
    %swap3A_64 = vector.load %arg8[%swap3A, %swap3A_63] : memref<10000x128xf32, #tpu.memory_space<vmem>>, vector<10000x128xf32>
    tpu.vector_store %arg8[%swap3A, %swap3A_63], %add3A_62 {strides = array<i32>} : memref<10000x128xf32, #tpu.memory_space<vmem>>, vector<10000x128xf32>,
    return
  }
}

module attributes {stable_mosaic.version = 14 : i64} {
  func.func @_head_body(%arg0: memref<10000x128xf32, #tpu.memory_space<vmem>>, %arg1: memref<128x128xf32, #tpu.memory_space<vmem>>, %arg2: memref<1x128xf32, #tpu.memory_space<vmem>>, %arg3: memref<1x128xf32, #tpu.memory_space<vmem>>) attributes {dimension_semantics = [], scalar_prefetch = 0 : i64, scratch_operands = 0 : i64, tpu.core_type = #tpu.core_type<tc>} {
    %get3A = arith.constant 0 : index
    %get3A_0 = arith.constant 0 : index
    %get3A_1 = vector.load %arg0[%get3A, %get3A_0] : memref<10000x128xf32, #tpu.memory_space<vmem>>, vector<10000x128xf32>
    %reduce_sum3A = arith.constant dense<0.000000e+00> : vector<128xf32>
    %reduce_sum3A_2 = vector.multi_reduction <add>, %get3A_1, %reduce_sum3A [0] : vector<10000x128xf32> to vector<128xf32>
    %broadcast_in_dim3A = vector.shape_cast %reduce_sum3A_2 : vector<128xf32> to vector<1x128xf32>
    %div3A = arith.constant 1.000000e+04 : f32
    %div3A_3 = vector.broadcast %div3A : f32 to vector<1x128xf32>
    %div3A_4 = arith.divf %broadcast_in_dim3A, %div3A_3 : vector<1x128xf32>
    %get3A_5 = arith.constant 0 : index
    %get3A_6 = arith.constant 0 : index
    %get3A_7 = vector.load %arg1[%get3A_5, %get3A_6] : memref<128x128xf32, #tpu.memory_space<vmem>>, vector<128x128xf32>
    %dot_general3A = arith.constant dense<0.000000e+00> : vector<1x128xf32>
    %dot_general3A_8 = tpu.matmul %div3A_4, %get3A_7, %dot_general3A {dimension_numbers = #tpu.dot_dimension_numbers<[1], [0], [0], [1], [0, 0, 1, 1], [], []>, precision = #tpu.contract_precision<fp32>, transpose_lhs_hint = false} : vector<1x128xf32>, vector<128x128xf32>, vector<1x128xf32> -> vector<1x128xf32>
    %get3A_9 = arith.constant 0 : index
    %get3A_10 = arith.constant 0 : index
    %get3A_11 = vector.load %arg2[%get3A_9, %get3A_10] : memref<1x128xf32, #tpu.memory_space<vmem>>, vector<1x128xf32>
    %add3A = arith.addf %dot_general3A_8, %get3A_11 : vector<1x128xf32>
    %swap3A = arith.constant 0 : index
    %swap3A_12 = arith.constant 0 : index
    %swap3A_13 = vector.load %arg3[%swap3A, %swap3A_12] : memref<1x128xf32, #tpu.memory_space<vmem>>, vector<1x128xf32>
    tpu.vector_store %arg3[%swap3A, %swap3A_12], %add3A {strides = array<i32>} : memref<1x128xf32, #tpu.memory_space<vmem>>, vector<1x128xf32>,
    return
  }
}

</mosaic_0001>

<sc_bundles>
// kernel: kernel.11.cloned.1.call-start
scs
__scs_entry_jumppad:
0x0: {  	(pc) =	sbr.rel $0x88, $3  }
0x1: {  	(tag) =	ssettag $0x0;
	lr =	simm.s32 $0x1  }
0x2: {  	[smem:$0x3F97] =	sst lr;
	_ =	strace $0xD0000000  }
0x3: {  	_ = 	snop  }
0x4: {  	_ = 	snop  }
0x5: {  	_ = 	snop  }
0x6: {  	_ = 	snop  }
0x7: {  	_ = 	snop  }
__scs_overlays_trampoline_lowered:
0x8: {  	[smem:$0x3FA6] =	sst s0  }
0x9: {  	[smem:$0x3FA7] =	sst s1  }
0xa: {  	[smem:$0x3FA8] =	sst s2  }
0xb: {  	[smem:$0x3FA9] =	sst s3  }
0xc: {  	[smem:$0x3FAA] =	sst s4  }
0xd: {  	[smem:$0x3FAB] =	sst s5  }
0xe: {  	[smem:$0x3FAC] =	sst s6  }
0xf: {  	[smem:$0x3FAD] =	sst s7  }
0x10: {  	[smem:$0x3FAE] =	sst s8  }
0x11: {  	[smem:$0x3FAF] =	sst s9;
	s0 =	simm.s32 @!p0 $0x0  }
0x12: {  	s1 =	sld [smem:$0x3F95];
	s0 =	simm.s32 @p0 $0x1  }
0x13: {  	[smem:$0x3FB0] =	sst s0;
	s0 =	simm.s32 @!p1 $0x0  }
0x14: {  	s2 =	sld [smem:$0x3F94];
	s0 =	simm.s32 @p1 $0x1  }
0x15: {  	[smem:$0x3FB1] =	sst s0;
	s0 =	simm.s32 @!p2 $0x0  }
0x16: {  	s3 =	sld [smem:$0x3FDB];
	s0 =	simm.s32 @p2 $0x1  }
0x17: {  	s4 =	simm.s32 $0x1BF5;
	[smem:$0x3FB3] =	sst s0  }
0x18: {  	s0 =	sld [smem:$0x3F96];
	_ =	swait.ge [sflag:s4], $0x0  }
0x19: {  	s7 =	sld [smem:$0x3F97]  }
0x1a: {  	s8 =	sadd.s32 $0xFFFFE003, lr  }
0x1b: {  	s9 =	sadd.s32 $0xFFFFFEF7, lr;
	s5 =	simm.s32 $0xFFFFFFFF;
	p2 =	slt.u32 s8, $0xFFFFF086  }
0x1c: {  	p1 =	slt.u32 s9, $0xF7A;
	s5 =	simm.s32 @!p2 $0x0  }
0x1d: {  	s5 =	simm.s32 @p1 $0x1;
	p0 =	seq.s32 s7, s2  }
0x1e: {  	s7 =	smul.u32 @!p0 $0xF7A, s2;
	p2 =	seq.s32 @!p0 s5, $0x0  }
0x1f: {  	s9 =	smul.u32 $0xF7A, s1;
	s8 =	simm.s32 @!p0 $0x1BF5;
	p2 =	por !p2, p0  }
0x20: {  	[sflag:s8] =	ssyncset.s32 @!p0 $0xFFFFF086;
	s6 =	sadd.s32 @!p0 s3, s7;
	s7 =	simm.s32 @!p0 $0x108  }
0x21: {  	s3 =	sadd.s32 s3, s9;
	s6 =	sadd.s32 @!p0 $0x88, s6;
	s7 =	simm.s32 @p2 $0x1082  }
0x22: {  	[simem:s7], [sflag:s8] =	dma.local @!p0 [hbm:s6], $0xF7A  }
0x23: {  	s9 =	sor.u32 $0xD0000000, s2;
	s6 =	simm.s32 $0x108;
	_ =	swait.ge @!p0 [sflag:s8], $0x0  }
0x24: {  	s3 =	sadd.s32 $0x88, s3;
	s6 =	simm.s32 @!p1 $0x1082;
	[sflag:s4] =	ssyncset.s32 $0xFFFFF086  }
0x25: {  	[simem:s6], [sflag:s4] =	dma.local [hbm:s3], $0xF7A  }
0x26: {  	[smem:$0x3F97] =	sst s1;
	(tag) =	ssettag s2;
	_ =	strace s9  }
0x27: {  	s1 =	sld [smem:$0x3FA7]  }
0x28: {  	s2 =	sld [smem:$0x3FA8]  }
0x29: {  	s4 =	sld [smem:$0x3FAA]  }
0x2a: {  	p0 =	seq.s32 s5, $0x0;
	s5 =	sld [smem:$0x3FAB]  }
0x2b: {  	s6 =	sld [smem:$0x3FAC]  }
0x2c: {  	s7 =	sld [smem:$0x3FAD]  }
0x2d: {  	s3 =	simm.s32 $0x108;
	s8 =	sld [smem:$0x3FAE]  }
0x2e: {  	s3 =	simm.s32 @!p0 $0x1082;
	s9 =	sld [smem:$0x3FAF]  }
0x2f: {  	lr =	sadd.s32 s0, s3;
	s0 =	sld [smem:$0x3FA6]  }
0x30: {  	s3 =	sld [smem:$0x3FA9]  }
0x31: {  	[smem:$0x3FB2] =	sst s10  }
0x32: {  	s10 =	sld [smem:$0x3FB0];
	_ =	sdelay $0x3  }
0x33: {  	p0 =	seq.s32 s10, $0x1;
	s10 =	sld [smem:$0x3FB2];
	_ =	sdelay $0x3  }
0x34: {  	[smem:$0x3FB2] =	sst s10  }
0x35: {  	s10 =	sld [smem:$0x3FB1];
	_ =	sdelay $0x3  }
0x36: {  	p1 =	seq.s32 s10, $0x1;
	s10 =	sld [smem:$0x3FB2];
	_ =	sdelay $0x3  }
0x37: {  	[smem:$0x3FB2] =	sst s10  }
0x38: {  	s10 =	sld [smem:$0x3FB3]  }
0x39: {  	_ = 	snop;
	(pc) =	sbr.ind lr, $3  }
0x3a: {  	_ = 	snop  }
0x3b: {  	_ = 	snop  }
0x3c: {  	p2 =	seq.s32 s10, $0x1;
	s10 =	sld [smem:$0x3FB2]  }
0x3d: {  	_ =	shalt  }
0x3e: {  	_ =	shalt  }
0x3f: {  	_ =	shalt  }
0x40: {  	_ =	shalt  }
0x41: {  	_ =	shalt  }
0x42: {  	_ =	shalt  }
0x43: {  	_ =	shalt  }
0x44: {  	_ =	shalt  }
0x45: {  	_ =	shalt  }
0x46: {  	_ =	shalt  }
0x47: {  	_ =	shalt  }
0x48: {  	_ =	shalt  }
0x49: {  	_ =	shalt  }
0x4a: {  	_ =	shalt  }
0x4b: {  	_ =	shalt  }
0x4c: {  	_ =	shalt  }
0x4d: {  	_ =	shalt  }
0x4e: {  	_ =	shalt  }
0x4f: {  	_ =	shalt  }
0x50: {  	_ =	shalt  }
0x51: {  	_ =	shalt  }
0x52: {  	_ =	shalt  }
0x53: {  	_ =	shalt  }
0x54: {  	_ =	shalt  }
0x55: {  	_ =	shalt  }
0x56: {  	_ =	shalt  }
0x57: {  	_ =	shalt  }
0x58: {  	_ =	shalt  }
0x59: {  	_ =	shalt  }
0x5a: {  	_ =	shalt  }
0x5b: {  	_ =	shalt  }
0x5c: {  	_ =	shalt  }
0x5d: {  	_ =	shalt  }
0x5e: {  	_ =	shalt  }
0x5f: {  	_ =	shalt  }
0x60: {  	_ =	shalt  }
0x61: {  	_ =	shalt  }
0x62: {  	_ =	shalt  }
0x63: {  	_ =	shalt  }
0x64: {  	_ =	shalt  }
0x65: {  	_ =	shalt  }
0x66: {  	_ =	shalt  }
0x67: {  	_ =	shalt  }
0x68: {  	_ =	shalt  }
0x69: {  	_ =	shalt  }
0x6a: {  	_ =	shalt  }
0x6b: {  	_ =	shalt  }
0x6c: {  	_ =	shalt  }
0x6d: {  	_ =	shalt  }
0x6e: {  	_ =	shalt  }
0x6f: {  	_ =	shalt  }
0x70: {  	_ =	shalt  }
0x71: {  	_ =	shalt  }
0x72: {  	_ =	shalt  }
0x73: {  	_ =	shalt  }
0x74: {  	_ =	shalt  }
0x75: {  	_ =	shalt  }
0x76: {  	_ =	shalt  }
0x77: {  	_ =	shalt  }
0x78: {  	_ =	shalt  }
0x79: {  	_ =	shalt  }
0x7a: {  	_ =	shalt  }
0x7b: {  	_ =	shalt  }
0x7c: {  	_ =	shalt  }
0x7d: {  	_ =	shalt  }
0x7e: {  	_ =	shalt  }
0x7f: {  	_ =	shalt  }
0x80: {  	_ =	shalt  }
0x81: {  	_ =	shalt  }
0x82: {  	_ =	shalt  }
0x83: {  	_ =	shalt  }
0x84: {  	_ =	shalt  }
0x85: {  	_ =	shalt  }
0x86: {  	_ =	shalt  }
0x87: {  	_ =	shalt  }
.Lfunc_end0:
.L_simem_size_0:
called_computation_lowered:
.L_overlay_start_0:
0x88: {  	s2 =	sld [smem:$0x3FD9]  }
0x89: {  	s3 =	sld [smem:$0x3FFE];
	_ =	sdelay $0x1  }
0x8a: {  	s1 =	srdreg.scid  }
0x8b: {  	s0 =	sand.u32 $0x1, s1  }
0x8c: {  	s16 =	sshll.u32 s0, $0xA;
	s2 =	sadd.s32 s3, s2  }
0x8d: {  	s2 =	sadd.s32 s2, s16  }
0x8e: {  	[smem:$0x3FBE] =	sst s2  }
0x8f: {  	_ = 	snop  }
0x90: {  	(tm) =	ssettm $0x1  }
0x91: {  	s17 =	sld [smem:$0x3FFB];
	_ =	sdelay $0x3  }
0x92: {  	_ =	strace s17  }
0x93: {  	s2 =	sld [smem:$0x3FFC];
	_ =	sdelay $0x3  }
0x94: {  	_ =	strace s2  }
0x95: {  	s2 =	sld [smem:$0x3FFD];
	_ =	sdelay $0x3  }
0x96: {  	_ =	strace s2  }
0x97: {  	_ =	strace $0x8FFFFFFF  }
0x98: {  	s18 =	sld [smem:$0x3FDB];
	_ =	sdelay $0x1  }
0x99: {  	s19 =	simm.s32 $_scs_section_size  }
0x9a: {  	s4 =	simm.s32 $_size__tile_overlayer_lowered;
	s5 =	simm.s32 $_tile_overlayer_lowered  }
0x9b: {  	s22 =	simm.s32 $0x1BFF;
	s21 =	sshll.u32 s5, $0x1;
	s2 =	sadd.s32 s19, s18  }
0x9c: {  	s6 =	simm.s32 $0x0;
	s20 =	sshll.u32 s4, $0x1;
	s4 =	sadd.s32 s21, s2  }
0x9d: {  	[timem:s6], [sflag:s22] =	dma.local [hbm:s4], s20  }
0x9e: {  	_ =	swait.ge [sflag:s22], s20  }
0x9f: {  	s3 =	ssub.s32 $0x0, s20;
	[sflag:s22] =	ssyncset.done $0x0  }
0xa0: {  	[sflag:s22] =	ssyncadd.s32 s3;
	_ =	sdelay $0x1  }
0xa1: {  	s23 =	simm.s32 $0x1B8B  }
0xa2: {  	_ =	swait.ge [sflag:s23], $0x1  }
0xa3: {  	[sflag:s23] =	ssyncset.done $0x0  }
0xa4: {  	s25 =	simm.s32 $0x1B8E;
	s24 =	sld [smem:$0x3FFE];
	[sflag:s23] =	ssyncadd.s32 $0xFFFFFFFF  }
0xa5: {  	s26 =	simm.s32 $execute0_lowered;
	[smem:$0x3FD2] =	sst s25  }
0xa6: {  	s4 =	sshll.u32 s26, $0x1;
	_ =	strace $0x80000046;
	[dreg:$0x1] =	wrdreg $0xFFFFFFFF  }
0xa7: {  	s28 =	simm.s32 $_size_execute0_lowered;
	s2 =	sadd.s32 s2, s4;
	[dreg:$0x0] =	wrdreg $0x0  }
0xa8: {  	s4 =	sshll.u32 s28, $0x1;
	[dreg:$0x2] =	wrdreg s2  }
0xa9: {  	[dreg:$0x3] =	wrdreg s4  }
0xaa: {  	[dreg:$0x4] =	wrdreg $0xC0  }
0xab: {  	_ =	task [dreg:s6], $0x5FFFF  }
0xac: {  	[dreg:$0x1] =	wrdreg $0xFFFFFFFF  }
0xad: {  	[dreg:$0x0] =	wrdreg $0x60  }
0xae: {  	[dreg:$0x2] =	wrdreg s24  }
0xaf: {  	[dreg:$0x3] =	wrdreg $0x0  }
0xb0: {  	[dreg:$0x4] =	wrdreg $0x9  }
0xb1: {  	_ =	task.clear_ibuf [dreg:s6], $0x5FFFF;
	_ =	strace $0x90000046  }
0xb2: {  	s29 =	simm.s32 $0x9;
	_ =	strace $0x80000048  }
0xb3: {  	_ =	swait.ge [sflag:s29], $0x1  }
0xb4: {  	[sflag:s29] =	ssyncadd.s32 $0xFFFFFFFF  }
0xb5: {  	_ =	strace $0x90000048  }
0xb6: {  	_ =	sfence  }
0xb7: {  	s30 =	sld [smem:$0x0];
	_ =	sdelay $0x2  }
0xb8: {  	s31 =	sshll.u32 s1, $0xD;
	s1 =	sshrl.u32 s1, $0x2  }
0xb9: {  	s3 =	sand.u32 $0x4000, s31;
	s1 =	sadd.s32 s1, s30  }
0xba: {  	s0 =	sor.u32 s3, s0;
	s1 =	sshll.u32 s1, $0x11  }
0xbb: {  	s0 =	sor.u32 s1, s0  }
0xbc: {  	s0 =	sadd.s32 $0x8F2B, s0  }
0xbd: {  	[sflag:s0] =	ssyncadd.remote.s32 $0x1  }
0xbe: {  	_ =	sfence.sel $0xFFFF  }
0xbf: {  	[dreg:$0x0] =	wrdreg $0xFFFFFFFF;
	(pc) =	sbr.abs _section_cstart, $3  }
0xc0: {  	[dreg:$0x1] =	wrdreg $0xFFFFFFFF  }
0xc1: {  	_ =	task.clear_ibuf [dreg:s6], $0x2FFFF;
	_ =	strace $0x9FFFFFFF  }
0xc2: {  	(tm) =	ssettm $0x7FFFFFFF  }
0xc3: {  	_ =	shalt  }
tec
execute0_lowered:
.L_overlay_start_1:
0x0: {  	(tag) =	ssettag $0x1  }
0x1: {  	s0 =	srdreg.scid  }
0x2: {  	s4 =	rddreg [dreg:$0x0];
	s5 =	sand.u32 $0x1, s0  }
0x3: {  	s0 =	stileid.u32;
	s3 =	smul.u32 $0xFFFF9C40, s5  }
0x4: {  	s2 =	rddreg [dreg:$0x1];
	s6 =	smul.u32 $0x9C4, s0  }
0x5: {  	s1 =	rddreg [dreg:$0x2];
	s14 =	simm.s32 $0x80;
	s20 =	smul.u32 $0x14000, s0  }
0x6: {  	s15 =	simm.s32 $0x14080;
	s16 =	simm.s32 $0x0;
	s8 =	smul.u32 $0x140000, s5  }
0x7: {  	s22 =	sshll.u32 s5, $0x4;
	s23 =	smul.u32 $0x50000, s0;
	s24 =	ssub.s32 $0x2, s5  }
0x8: {  	s30 =	sshll.u32 s0, $0x6;
	s25 =	sor.u32 s0, s22;
	s26 =	sshrl.u32 s24, $0x1  }
0x9: {  	s5 =	sor.u32 $0x1C01, s30;
	s7 =	sand.u32 $0xFFC0, s3;
	s3 =	simm.s32 $0x0  }
0xa: {  	s9 =	sshrl.u32 s20, $0x3;
	s28 =	sshrl.u32 s23, $0x2;
	s29 =	smul.u32 $0x9C4, s25  }
0xb: {  	s12 =	ssub.s32 s24, s26;
	s6 =	sadd.s32 s6, s7;
	[smem:$0x7FF] =	sst s3  }
0xc: {  	s21 =	sadd.s32 s9, s4;
	s7 =	sadd.s32 s20, s8;
	s13 =	sadd.s32 s28, s2  }
0xd: {  	s9 =	smax.u32 s12, $0x1;
	s12 =	simm.s32 $0x1;
	s6 =	sshrl.u32 s6, $0x1  }
.Ltmp0:
0xe: {  	_ =	strace $0x80000047;
	s7 =	sshrl.u32 s7, $0x3;
	(pc) =	sbr.rel .LBB2_1-.Ltmp0, $4  }
0xf: {  	s31 =	sadd.s32 $0x9C4, s29;
	s6 =	sand.u32 $0xFFF0, s6;
	s11 =	sadd.s32 s7, s4  }
0x10: {  	s7 =	sshrl.u32 s31, $0x5;
	s10 =	sadd.s32 s6, s4;
	s4 =	sadd.s32 $0x17200, s21  }
0x11: {  	s6 =	sshrl.u32 s29, $0x5;
	s8 =	sadd.s32 $0x3F200, s11;
	s11 =	sshrl.u32 s13, $0x3  }
0x12: {  	v0 =	vimm.f32 $1.000000000e+00;
	s13 =	simm.s32 $0x14000;
	s10 =	sadd.s32 $0x3600, s10;
	p0 =	sge.u32 s6, s7  }
.LBB2_6:
0x13: {  	[sflag:s12] =	ssyncadd.s32 $0xFFFFC000  }
.LBB2_7:
0x14: {  	s16 =	sadd.s32 $0x1, s16  }
0x15: {  	p1 =	sne.s32 s16, s9  }
.Ltmp1:
0x16: {  	[bflag:$0x0] =	sbarrier.arrive $0xFFFF;
	(pc) =	sbr.rel @!p1 .LBB2_8-.Ltmp1, $4  }
0x17: {  	[hbm:s8], [sflag:s5] =	dma.local [spmem:s11], $0x2800  }
0x18: {  	_ =	swait.ge [sflag:s12], $0x2800  }
0x19: {  	[sflag:s12] =	ssyncset.done $0x0  }
0x1a: {  	[sflag:s12] =	ssyncadd.s32 $0xFFFFD800  }
.LBB2_1:
0x1b: {  	s17 =	simm.s32 $0x200;
	s18 =	simm.s32 $0x0  }
.LBB2_2:
0x1c: {  	p1 =	sne.s32 s17, $0xFE00;
	[tilespmem:s18+$0x14080] =	vst v0;
	s18 =	smov.u32 s17;
	s17 =	sadd.s32 $0x200, s17  }
.Ltmp2:
0x1d: {  	(pc) =	sbr.rel @p1 .LBB2_2-.Ltmp2, $2  }
0x1e: {  	_ =	sdelay $0x2  }
0x1f: {  	s18 =	sshra.s32 s18, $0x2  }
0x20: {  	[tilespmem:s18+$0x14080] =	vst v0  }
0x21: {  	[spmem:s11], [sflag:s5] =	dma.local [hbm:s4], $0x2800  }
.Ltmp3:
0x22: {  	_ =	swait.ge [sflag:s12], $0x2800;
	(pc) =	sbr.rel @p0 .LBB2_7-.Ltmp3, $3  }
0x23: {  	[sflag:s12] =	ssyncset.done $0x0  }
0x24: {  	[sflag:s12] =	ssyncadd.s32 $0xFFFFD800  }
0x25: {  	[bflag:$0x0] =	sbarrier.arrive $0xFFFF;
	_ =	sdelay $0x1  }
0x26: {  	[tilespmem:s13], [sflag:$0x1] =	stream.linear.gather [hbm4b:s10+s3], $0x80, $0x38;
	[tilespmem:$0x18080] =	vst v63  }
0x27: {  	s17 =	sadd.s32 $0x1, s6  }
0x28: {  	_ =	swait.ge [sflag:s12], $0x80;
	p1 =	slt.u32 s17, s7  }
.Ltmp4:
0x29: {  	[sflag:s12] =	ssyncset.done $0x0;
	(pc) =	sbr.rel @!p1 .LBB2_6-.Ltmp4, $4  }
0x2a: {  	[sflag:s12] =	ssyncadd.s32 $0xFFFFFF80  }
0x2b: {  	[spmem:s2] =	stream.indirect.scatter.add.f32 [tilespmem:s15], [sflag:$0x1], $0x80, s13, s14, $0xb8;
	[tilespmem:$0x18080] =	vst v63  }
0x2c: {  	_ =	swait.ge [sflag:s12], $0x4000  }
0x2d: {  	s18 =	smov.u32 s10;
	[sflag:s12] =	ssyncset.done $0x0  }
.LBB2_5:
0x2e: {  	s17 =	sadd.s32 $0x1, s17;
	[sflag:s12] =	ssyncadd.s32 $0xFFFFC000;
	s18 =	sadd.s32 $0x10, s18  }
0x2f: {  	[tilespmem:s13], [sflag:$0x1] =	stream.linear.gather [hbm4b:s18+s3], $0x80, $0x38;
	[tilespmem:$0x18080] =	vst v63  }
0x30: {  	p1 =	slt.u32 s17, s7;
	_ =	swait.ge [sflag:s12], $0x80  }
.Ltmp5:
0x31: {  	[sflag:s12] =	ssyncset.done $0x0;
	(pc) =	sbr.rel @p1 .LBB2_5-.Ltmp5, $4  }
0x32: {  	[sflag:s12] =	ssyncadd.s32 $0xFFFFFF80  }
0x33: {  	[spmem:s2] =	stream.indirect.scatter.add.f32 [tilespmem:s15], [sflag:$0x1], $0x80, s13, s14, $0xb8;
	[tilespmem:$0x18080] =	vst v63  }
0x34: {  	_ =	swait.ge [sflag:s12], $0x4000  }
0x35: {  	[sflag:s12] =	ssyncset.done $0x0  }
.Ltmp6:
0x36: {  	_ = 	snop;
	(pc) =	sbr.rel .LBB2_6-.Ltmp6, $1  }
0x37: {  	_ =	sdelay $0x3  }
.LBB2_8:
0x38: {  	_ =	sfence.sel $0x180000  }
0x39: {  	[bflag:$0x0] =	sbarrier.arrive $0xFFFF  }
0x3a: {  	p0 =	sne.s32 s0, $0x0;
	_ =	strace $0x90000047  }
0x3b: {  	s0 =	sadd.s32 @!p0 $0x100000, s1;
	[bflag:$0x2] =	sbarrier.arrive $0xFFFF  }
0x3c: {  	[sflag:s0] =	ssyncadd.tile.s32 @!p0 $0x1;
	_ =	shalt  }
.Lfunc_end2:
_tile_overlayer_lowered:
.L_overlay_start_2:
0x3d: {  	(tag) =	ssettag $0x2  }
0x3e: {  	s0 =	rddreg [dreg:$0x0];
	s2 =	stileid.u32  }
0x3f: {  	s1 =	rddreg [dreg:$0x1];
	p0 =	sne.s32 s2, $0x0  }
0x40: {  	s3 =	rddreg [dreg:$0x2];
	[bflag:$0x3] =	sbarrier.arrive $0xFFFF;
	s2 =	simm.s32 @!p0 $0x1C01  }
0x41: {  	[timem:s3], [sflag:s2] =	dma.local @!p0 [hbm:s0], s1  }
0x42: {  	s0 =	simm.s32 @!p0 $0x1  }
0x43: {  	_ =	swait.ge @!p0 [sflag:s0], s1  }
0x44: {  	s1 =	ssub.s32 @!p0 $0x0, s1;
	[sflag:s0] =	ssyncset.done @!p0 $0x0  }
0x45: {  	[sflag:s0] =	ssyncadd.s32 @!p0 s1  }
0x46: {  	[bflag:$0x3] =	sbarrier.arrive $0xFFFF  }
0x47: {  	_ =	shalt  }

// kernel: kernel.14.cloned.1.call-start
scs
__scs_entry_jumppad:
0x0: {  	(pc) =	sbr.rel $0x88, $3  }
0x1: {  	(tag) =	ssettag $0x0;
	lr =	simm.s32 $0x1  }
0x2: {  	[smem:$0x3F97] =	sst lr;
	_ =	strace $0xD0000000  }
0x3: {  	_ = 	snop  }
0x4: {  	_ = 	snop  }
0x5: {  	_ = 	snop  }
0x6: {  	_ = 	snop  }
0x7: {  	_ = 	snop  }
__scs_overlays_trampoline_lowered:
0x8: {  	[smem:$0x3FA6] =	sst s0  }
0x9: {  	[smem:$0x3FA7] =	sst s1  }
0xa: {  	[smem:$0x3FA8] =	sst s2  }
0xb: {  	[smem:$0x3FA9] =	sst s3  }
0xc: {  	[smem:$0x3FAA] =	sst s4  }
0xd: {  	[smem:$0x3FAB] =	sst s5  }
0xe: {  	[smem:$0x3FAC] =	sst s6  }
0xf: {  	[smem:$0x3FAD] =	sst s7  }
0x10: {  	[smem:$0x3FAE] =	sst s8  }
0x11: {  	[smem:$0x3FAF] =	sst s9;
	s0 =	simm.s32 @!p0 $0x0  }
0x12: {  	s1 =	sld [smem:$0x3F95];
	s0 =	simm.s32 @p0 $0x1  }
0x13: {  	[smem:$0x3FB0] =	sst s0;
	s0 =	simm.s32 @!p1 $0x0  }
0x14: {  	s2 =	sld [smem:$0x3F94];
	s0 =	simm.s32 @p1 $0x1  }
0x15: {  	[smem:$0x3FB1] =	sst s0;
	s0 =	simm.s32 @!p2 $0x0  }
0x16: {  	s3 =	sld [smem:$0x3FDB];
	s0 =	simm.s32 @p2 $0x1  }
0x17: {  	s4 =	simm.s32 $0x1BF5;
	[smem:$0x3FB3] =	sst s0  }
0x18: {  	s0 =	sld [smem:$0x3F96];
	_ =	swait.ge [sflag:s4], $0x0  }
0x19: {  	s7 =	sld [smem:$0x3F97]  }
0x1a: {  	s8 =	sadd.s32 $0xFFFFE003, lr  }
0x1b: {  	s9 =	sadd.s32 $0xFFFFFEF7, lr;
	s5 =	simm.s32 $0xFFFFFFFF;
	p2 =	slt.u32 s8, $0xFFFFF086  }
0x1c: {  	p1 =	slt.u32 s9, $0xF7A;
	s5 =	simm.s32 @!p2 $0x0  }
0x1d: {  	s5 =	simm.s32 @p1 $0x1;
	p0 =	seq.s32 s7, s2  }
0x1e: {  	s7 =	smul.u32 @!p0 $0xF7A, s2;
	p2 =	seq.s32 @!p0 s5, $0x0  }
0x1f: {  	s9 =	smul.u32 $0xF7A, s1;
	s8 =	simm.s32 @!p0 $0x1BF5;
	p2 =	por !p2, p0  }
0x20: {  	[sflag:s8] =	ssyncset.s32 @!p0 $0xFFFFF086;
	s6 =	sadd.s32 @!p0 s3, s7;
	s7 =	simm.s32 @!p0 $0x108  }
0x21: {  	s3 =	sadd.s32 s3, s9;
	s6 =	sadd.s32 @!p0 $0x88, s6;
	s7 =	simm.s32 @p2 $0x1082  }
0x22: {  	[simem:s7], [sflag:s8] =	dma.local @!p0 [hbm:s6], $0xF7A  }
0x23: {  	s9 =	sor.u32 $0xD0000000, s2;
	s6 =	simm.s32 $0x108;
	_ =	swait.ge @!p0 [sflag:s8], $0x0  }
0x24: {  	s3 =	sadd.s32 $0x88, s3;
	s6 =	simm.s32 @!p1 $0x1082;
	[sflag:s4] =	ssyncset.s32 $0xFFFFF086  }
0x25: {  	[simem:s6], [sflag:s4] =	dma.local [hbm:s3], $0xF7A  }
0x26: {  	[smem:$0x3F97] =	sst s1;
	(tag) =	ssettag s2;
	_ =	strace s9  }
0x27: {  	s1 =	sld [smem:$0x3FA7]  }
0x28: {  	s2 =	sld [smem:$0x3FA8]  }
0x29: {  	s4 =	sld [smem:$0x3FAA]  }
0x2a: {  	p0 =	seq.s32 s5, $0x0;
	s5 =	sld [smem:$0x3FAB]  }
0x2b: {  	s6 =	sld [smem:$0x3FAC]  }
0x2c: {  	s7 =	sld [smem:$0x3FAD]  }
0x2d: {  	s3 =	simm.s32 $0x108;
	s8 =	sld [smem:$0x3FAE]  }
0x2e: {  	s3 =	simm.s32 @!p0 $0x1082;
	s9 =	sld [smem:$0x3FAF]  }
0x2f: {  	lr =	sadd.s32 s0, s3;
	s0 =	sld [smem:$0x3FA6]  }
0x30: {  	s3 =	sld [smem:$0x3FA9]  }
0x31: {  	[smem:$0x3FB2] =	sst s10  }
0x32: {  	s10 =	sld [smem:$0x3FB0];
	_ =	sdelay $0x3  }
0x33: {  	p0 =	seq.s32 s10, $0x1;
	s10 =	sld [smem:$0x3FB2];
	_ =	sdelay $0x3  }
0x34: {  	[smem:$0x3FB2] =	sst s10  }
0x35: {  	s10 =	sld [smem:$0x3FB1];
	_ =	sdelay $0x3  }
0x36: {  	p1 =	seq.s32 s10, $0x1;
	s10 =	sld [smem:$0x3FB2];
	_ =	sdelay $0x3  }
0x37: {  	[smem:$0x3FB2] =	sst s10  }
0x38: {  	s10 =	sld [smem:$0x3FB3]  }
0x39: {  	_ = 	snop;
	(pc) =	sbr.ind lr, $3  }
0x3a: {  	_ = 	snop  }
0x3b: {  	_ = 	snop  }
0x3c: {  	p2 =	seq.s32 s10, $0x1;
	s10 =	sld [smem:$0x3FB2]  }
0x3d: {  	_ =	shalt  }
0x3e: {  	_ =	shalt  }
0x3f: {  	_ =	shalt  }
0x40: {  	_ =	shalt  }
0x41: {  	_ =	shalt  }
0x42: {  	_ =	shalt  }
0x43: {  	_ =	shalt  }
0x44: {  	_ =	shalt  }
0x45: {  	_ =	shalt  }
0x46: {  	_ =	shalt  }
0x47: {  	_ =	shalt  }
0x48: {  	_ =	shalt  }
0x49: {  	_ =	shalt  }
0x4a: {  	_ =	shalt  }
0x4b: {  	_ =	shalt  }
0x4c: {  	_ =	shalt  }
0x4d: {  	_ =	shalt  }
0x4e: {  	_ =	shalt  }
0x4f: {  	_ =	shalt  }
0x50: {  	_ =	shalt  }
0x51: {  	_ =	shalt  }
0x52: {  	_ =	shalt  }
0x53: {  	_ =	shalt  }
0x54: {  	_ =	shalt  }
0x55: {  	_ =	shalt  }
0x56: {  	_ =	shalt  }
0x57: {  	_ =	shalt  }
0x58: {  	_ =	shalt  }
0x59: {  	_ =	shalt  }
0x5a: {  	_ =	shalt  }
0x5b: {  	_ =	shalt  }
0x5c: {  	_ =	shalt  }
0x5d: {  	_ =	shalt  }
0x5e: {  	_ =	shalt  }
0x5f: {  	_ =	shalt  }
0x60: {  	_ =	shalt  }
0x61: {  	_ =	shalt  }
0x62: {  	_ =	shalt  }
0x63: {  	_ =	shalt  }
0x64: {  	_ =	shalt  }
0x65: {  	_ =	shalt  }
0x66: {  	_ =	shalt  }
0x67: {  	_ =	shalt  }
0x68: {  	_ =	shalt  }
0x69: {  	_ =	shalt  }
0x6a: {  	_ =	shalt  }
0x6b: {  	_ =	shalt  }
0x6c: {  	_ =	shalt  }
0x6d: {  	_ =	shalt  }
0x6e: {  	_ =	shalt  }
0x6f: {  	_ =	shalt  }
0x70: {  	_ =	shalt  }
0x71: {  	_ =	shalt  }
0x72: {  	_ =	shalt  }
0x73: {  	_ =	shalt  }
0x74: {  	_ =	shalt  }
0x75: {  	_ =	shalt  }
0x76: {  	_ =	shalt  }
0x77: {  	_ =	shalt  }
0x78: {  	_ =	shalt  }
0x79: {  	_ =	shalt  }
0x7a: {  	_ =	shalt  }
0x7b: {  	_ =	shalt  }
0x7c: {  	_ =	shalt  }
0x7d: {  	_ =	shalt  }
0x7e: {  	_ =	shalt  }
0x7f: {  	_ =	shalt  }
0x80: {  	_ =	shalt  }
0x81: {  	_ =	shalt  }
0x82: {  	_ =	shalt  }
0x83: {  	_ =	shalt  }
0x84: {  	_ =	shalt  }
0x85: {  	_ =	shalt  }
0x86: {  	_ =	shalt  }
0x87: {  	_ =	shalt  }
.Lfunc_end0:
.L_simem_size_0:
called_computation.1_lowered:
.L_overlay_start_0:
0x88: {  	s2 =	sld [smem:$0x3FD9]  }
0x89: {  	s3 =	sld [smem:$0x3FFE];
	_ =	sdelay $0x1  }
0x8a: {  	s1 =	srdreg.scid  }
0x8b: {  	s0 =	sand.u32 $0x1, s1  }
0x8c: {  	s17 =	sshll.u32 s0, $0xA;
	s2 =	sadd.s32 s3, s2  }
0x8d: {  	s2 =	sadd.s32 s2, s17  }
0x8e: {  	[smem:$0x3FBE] =	sst s2  }
0x8f: {  	_ = 	snop  }
0x90: {  	(tm) =	ssettm $0x1  }
0x91: {  	s18 =	sld [smem:$0x3FFB];
	_ =	sdelay $0x3  }
0x92: {  	_ =	strace s18  }
0x93: {  	s2 =	sld [smem:$0x3FFC];
	_ =	sdelay $0x3  }
0x94: {  	_ =	strace s2  }
0x95: {  	s2 =	sld [smem:$0x3FFD];
	_ =	sdelay $0x3  }
0x96: {  	_ =	strace s2  }
0x97: {  	_ =	strace $0x8FFFFFFF  }
0x98: {  	s19 =	sld [smem:$0x3FDB];
	_ =	sdelay $0x1  }
0x99: {  	s20 =	simm.s32 $_scs_section_size  }
0x9a: {  	s4 =	simm.s32 $_size__tile_overlayer_lowered;
	s5 =	simm.s32 $_tile_overlayer_lowered  }
0x9b: {  	s6 =	simm.s32 $0x1BFF;
	s21 =	sshll.u32 s5, $0x1;
	s3 =	sadd.s32 s20, s19  }
0x9c: {  	s22 =	simm.s32 $0x0;
	s4 =	sshll.u32 s4, $0x1;
	s5 =	sadd.s32 s21, s3  }
0x9d: {  	[timem:s22], [sflag:s6] =	dma.local [hbm:s5], s4  }
0x9e: {  	_ =	swait.ge [sflag:s6], s4  }
0x9f: {  	s4 =	ssub.s32 $0x0, s4;
	[sflag:s6] =	ssyncset.done $0x0  }
0xa0: {  	[sflag:s6] =	ssyncadd.s32 s4;
	_ =	sdelay $0x1  }
0xa1: {  	s23 =	simm.s32 $0x1B8B  }
0xa2: {  	_ =	swait.ge [sflag:s23], $0x1  }
0xa3: {  	[sflag:s23] =	ssyncset.done $0x0  }
0xa4: {  	[sflag:s23] =	ssyncadd.s32 $0xFFFFFFFF  }
0xa5: {  	s4 =	sld [smem:$0x0]  }
0xa6: {  	s5 =	sand.u32 $0xFFFFFFFE, s1  }
0xa7: {  	p0 =	sne.s32 s1, s5  }
0xa8: {  	s5 =	sshll.u32 @p0 s5, $0xE  }
0xa9: {  	s5 =	sadd.s32 @p0 $0x11B8D, s5;
	s6 =	sshll.u32 @p0 s4, $0x11  }
0xaa: {  	s5 =	sor.u32 @p0 s6, s5  }
0xab: {  	[sflag:s5] =	ssyncadd.remote.s32 @p0 $0x1;
	_ =	sdelay $0x1  }
0xac: {  	s5 =	simm.s32 @p0 $0x1B8D  }
0xad: {  	_ =	swait.eq @p0 [sflag:s5], $0x1  }
0xae: {  	[sflag:s5] =	ssyncadd.s32 @p0 $0xFFFFFFFF  }
0xaf: {  	s6 =	sshll.u32 @!p0 s1, $0xE  }
0xb0: {  	s6 =	sor.u32 @!p0 $0x4000, s6;
	s5 =	simm.s32 @!p0 $0x1B8D  }
0xb1: {  	s4 =	sshll.u32 @!p0 s4, $0x11;
	s6 =	sadd.s32 @!p0 $0x11B8D, s6;
	_ =	swait.eq @!p0 [sflag:s5], $0x1  }
0xb2: {  	s4 =	sor.u32 @!p0 s4, s6;
	[sflag:s5] =	ssyncadd.s32 @!p0 $0xFFFFFFFF  }
0xb3: {  	s25 =	simm.s32 $0x1B8E;
	s24 =	sld [smem:$0x3FFE];
	[sflag:s4] =	ssyncadd.remote.s32 @!p0 $0x1  }
0xb4: {  	s26 =	simm.s32 $execute0_lowered;
	[smem:$0x3FD2] =	sst s25  }
0xb5: {  	s5 =	sshll.u32 s26, $0x1;
	_ =	strace $0x80000049;
	[dreg:$0x1] =	wrdreg $0xFFFFFFFF  }
0xb6: {  	s28 =	simm.s32 $_size_execute0_lowered;
	s3 =	sadd.s32 s3, s5;
	[dreg:$0x0] =	wrdreg $0x0  }
0xb7: {  	s5 =	sshll.u32 s28, $0x1;
	[dreg:$0x2] =	wrdreg s3  }
0xb8: {  	[dreg:$0x3] =	wrdreg s5  }
0xb9: {  	[dreg:$0x4] =	wrdreg $0xC0  }
0xba: {  	_ =	task [dreg:s22], $0x5FFFF  }
0xbb: {  	[dreg:$0x1] =	wrdreg $0xFFFFFFFF  }
0xbc: {  	[dreg:$0x0] =	wrdreg $0x60  }
0xbd: {  	[dreg:$0x2] =	wrdreg s24  }
0xbe: {  	[dreg:$0x3] =	wrdreg $0x0  }
0xbf: {  	[dreg:$0x4] =	wrdreg $0xA  }
0xc0: {  	_ =	task.clear_ibuf [dreg:s22], $0x5FFFF;
	_ =	strace $0x90000049  }
0xc1: {  	s29 =	simm.s32 $0xA;
	_ =	strace $0x8000004B  }
0xc2: {  	_ =	swait.ge [sflag:s29], $0x1  }
0xc3: {  	[sflag:s29] =	ssyncadd.s32 $0xFFFFFFFF  }
0xc4: {  	_ =	strace $0x9000004B  }
0xc5: {  	_ =	sfence  }
0xc6: {  	s30 =	sld [smem:$0x0];
	_ =	sdelay $0x2  }
0xc7: {  	s31 =	sshll.u32 s1, $0xD;
	s1 =	sshrl.u32 s1, $0x2  }
0xc8: {  	s4 =	sand.u32 $0x4000, s31;
	s1 =	sadd.s32 s1, s30  }
0xc9: {  	s0 =	sor.u32 s4, s0;
	s1 =	sshll.u32 s1, $0x11  }
0xca: {  	s0 =	sor.u32 s1, s0  }
0xcb: {  	s0 =	sadd.s32 $0x8F2B, s0  }
0xcc: {  	[sflag:s0] =	ssyncadd.remote.s32 $0x1  }
0xcd: {  	_ =	sfence.sel $0xFFFF  }
0xce: {  	[dreg:$0x0] =	wrdreg $0xFFFFFFFF;
	(pc) =	sbr.abs _section_cstart, $3  }
0xcf: {  	[dreg:$0x1] =	wrdreg $0xFFFFFFFF  }
0xd0: {  	_ =	task.clear_ibuf [dreg:s22], $0x2FFFF;
	_ =	strace $0x9FFFFFFF  }
0xd1: {  	(tm) =	ssettm $0x7FFFFFFF  }
tec
execute0_lowered:
.L_overlay_start_1:
0x0: {  	(tag) =	ssettag $0x1  }
0x1: {  	s5 =	rddreg [dreg:$0x0]  }
0x2: {  	s0 =	srdreg.scid;
	s2 =	rddreg [dreg:$0x1]  }
0x3: {  	s1 =	rddreg [dreg:$0x2];
	s6 =	sand.u32 $0x1, s0  }
0x4: {  	s3 =	simm.s32 $0x0;
	s0 =	stileid.u32;
	s4 =	smul.u32 $0xFFFF9C40, s6  }
0x5: {  	s15 =	simm.s32 $0x14000;
	s16 =	simm.s32 $0x14080;
	s7 =	smul.u32 $0x9C4, s0  }
0x6: {  	s17 =	simm.s32 $0x80;
	s18 =	simm.s32 $0x14100;
	s22 =	smul.u32 $0x14000, s0  }
0x7: {  	s19 =	simm.s32 $0x1;
	[smem:$0x7FF] =	sst s3;
	s9 =	smul.u32 $0x140000, s6  }
0x8: {  	s20 =	simm.s32 $0x0;
	_ =	strace $0x8000004A;
	s24 =	smul.u32 $0x50000, s0  }
0x9: {  	s25 =	sshll.u32 s6, $0x4;
	s26 =	ssub.s32 $0x2, s6;
	s30 =	sshll.u32 s0, $0x6  }
0xa: {  	s28 =	sor.u32 s0, s25;
	s29 =	sshrl.u32 s26, $0x1;
	s6 =	sor.u32 $0x1C02, s30  }
0xb: {  	s4 =	sand.u32 $0xFFC0, s4;
	s10 =	sshrl.u32 s22, $0x3;
	s13 =	ssub.s32 s26, s29  }
0xc: {  	s4 =	sadd.s32 s7, s4;
	s23 =	sadd.s32 s10, s5;
	s7 =	sadd.s32 s22, s9  }
0xd: {  	s9 =	sshrl.u32 s24, $0x2;
	s10 =	smul.u32 $0x9C4, s28;
	s8 =	sshrl.u32 s4, $0x1  }
0xe: {  	s4 =	sadd.s32 $0x8F200, s5;
	s7 =	sshrl.u32 s7, $0x3;
	s14 =	sadd.s32 s9, s2  }
.Ltmp0:
0xf: {  	s8 =	sand.u32 $0xFFF0, s8;
	s11 =	sadd.s32 s7, s5;
	(pc) =	sbr.rel .LBB2_1-.Ltmp0, $4  }
0x10: {  	s31 =	sadd.s32 $0x9C4, s10;
	s7 =	sshrl.u32 s10, $0x5;
	s10 =	smax.u32 s13, $0x1  }
0x11: {  	s13 =	sshrl.u32 s14, $0x3;
	s14 =	simm.s32 $0x2;
	s12 =	sadd.s32 s8, s5  }
0x12: {  	s5 =	sadd.s32 $0x17200, s23;
	s8 =	sshrl.u32 s31, $0x5;
	s9 =	sadd.s32 $0xB6400, s11  }
0x13: {  	s11 =	sadd.s32 $0x3600, s12;
	s12 =	sadd.s32 $0xD400, s12;
	p0 =	sge.u32 s7, s8  }
.LBB2_4:
0x14: {  	[sflag:s14] =	ssyncadd.s32 $0xFFFFC000  }
.LBB2_5:
0x15: {  	s20 =	sadd.s32 $0x1, s20  }
0x16: {  	p1 =	sne.s32 s20, s10  }
.Ltmp1:
0x17: {  	[bflag:$0x0] =	sbarrier.arrive $0xFFFF;
	(pc) =	sbr.rel @!p1 .LBB2_6-.Ltmp1, $4  }
0x18: {  	[hbm:s9], [sflag:s6] =	dma.local [spmem:s13], $0x2800  }
0x19: {  	_ =	swait.ge [sflag:s14], $0x2800  }
0x1a: {  	[sflag:s14] =	ssyncset.done $0x0  }
0x1b: {  	[sflag:s14] =	ssyncadd.s32 $0xFFFFD800  }
.LBB2_1:
0x1c: {  	[spmem:s13], [sflag:s6] =	dma.local [hbm:s5], $0x2800  }
.Ltmp2:
0x1d: {  	_ =	swait.ge [sflag:s14], $0x2800;
	(pc) =	sbr.rel @p0 .LBB2_5-.Ltmp2, $3  }
0x1e: {  	[sflag:s14] =	ssyncset.done $0x0  }
0x1f: {  	[sflag:s14] =	ssyncadd.s32 $0xFFFFD800  }
0x20: {  	[bflag:$0x0] =	sbarrier.arrive $0xFFFF;
	_ =	sdelay $0x1  }
0x21: {  	[tilespmem:s15], [sflag:$0x2] =	stream.linear.gather [hbm4b:s12+s3], $0x80, $0x38;
	[tilespmem:$0x18100] =	vst v63  }
0x22: {  	_ =	swait.ge [sflag:s14], $0x80  }
0x23: {  	[sflag:s14] =	ssyncset.done $0x0  }
0x24: {  	[sflag:s14] =	ssyncadd.s32 $0xFFFFFF80  }
0x25: {  	[tilespmem:s16], [sflag:$0x2] =	stream.linear.gather [hbm4b:s11+s3], $0x80, $0x38;
	[tilespmem:$0x18100] =	vst v63  }
0x26: {  	_ =	swait.ge [sflag:s14], $0x80  }
0x27: {  	[sflag:s14] =	ssyncset.done $0x0  }
0x28: {  	s21 =	sadd.s32 $0x1, s7;
	[sflag:s14] =	ssyncadd.s32 $0xFFFFFF80  }
0x29: {  	[tilespmem:s18], [sflag:$0x1] =	stream.indirect.gather [hbm4b:s4+s17], $0x80, s15, s17, $0xb8;
	[tilespmem:$0x18100] =	vst v63  }
0x2a: {  	p1 =	slt.u32 s21, s8;
	_ =	swait.ge [sflag:s19], $0x4000  }
.Ltmp3:
0x2b: {  	[sflag:s19] =	ssyncset.done $0x0;
	(pc) =	sbr.rel @!p1 .LBB2_4-.Ltmp3, $4  }
0x2c: {  	[sflag:s19] =	ssyncadd.s32 $0xFFFFC000  }
0x2d: {  	[spmem:s2] =	stream.indirect.scatter.add.f32 [tilespmem:s18], [sflag:$0x2], $0x80, s16, s17, $0xb8;
	[tilespmem:$0x18100] =	vst v63  }
0x2e: {  	_ =	swait.ge [sflag:s14], $0x4000  }
0x2f: {  	s22 =	sadd.s32 $0x10, s12;
	s23 =	smov.u32 s11;
	[sflag:s14] =	ssyncset.done $0x0  }
.LBB2_3:
0x30: {  	s21 =	sadd.s32 $0x1, s21;
	[sflag:s14] =	ssyncadd.s32 $0xFFFFC000;
	s23 =	sadd.s32 $0x10, s23  }
0x31: {  	[tilespmem:s15], [sflag:$0x2] =	stream.linear.gather [hbm4b:s22+s3], $0x80, $0x38;
	[tilespmem:$0x18100] =	vst v63  }
0x32: {  	p1 =	slt.u32 s21, s8;
	_ =	swait.ge [sflag:s14], $0x80  }
0x33: {  	[sflag:s14] =	ssyncset.done $0x0  }
0x34: {  	[sflag:s14] =	ssyncadd.s32 $0xFFFFFF80  }
0x35: {  	[tilespmem:s16], [sflag:$0x2] =	stream.linear.gather [hbm4b:s23+s3], $0x80, $0x38;
	[tilespmem:$0x18100] =	vst v63  }
0x36: {  	_ =	swait.ge [sflag:s14], $0x80  }
0x37: {  	[sflag:s14] =	ssyncset.done $0x0  }
0x38: {  	[sflag:s14] =	ssyncadd.s32 $0xFFFFFF80  }
0x39: {  	[tilespmem:s18], [sflag:$0x1] =	stream.indirect.gather [hbm4b:s4+s17], $0x80, s15, s17, $0xb8;
	[tilespmem:$0x18100] =	vst v63  }
0x3a: {  	_ =	swait.ge [sflag:s19], $0x4000  }
.Ltmp4:
0x3b: {  	[sflag:s19] =	ssyncset.done $0x0;
	(pc) =	sbr.rel @p1 .LBB2_3-.Ltmp4, $4  }
0x3c: {  	[sflag:s19] =	ssyncadd.s32 $0xFFFFC000  }
0x3d: {  	[spmem:s2] =	stream.indirect.scatter.add.f32 [tilespmem:s18], [sflag:$0x2], $0x80, s16, s17, $0xb8;
	[tilespmem:$0x18100] =	vst v63  }
0x3e: {  	_ =	swait.ge [sflag:s14], $0x4000  }
0x3f: {  	s22 =	sadd.s32 $0x10, s22;
	[sflag:s14] =	ssyncset.done $0x0  }
.Ltmp5:
0x40: {  	_ = 	snop;
	(pc) =	sbr.rel .LBB2_4-.Ltmp5, $1  }
0x41: {  	_ =	sdelay $0x3  }
.LBB2_6:
0x42: {  	_ =	sfence.sel $0x180000  }
0x43: {  	[bflag:$0x0] =	sbarrier.arrive $0xFFFF  }
0x44: {  	p0 =	sne.s32 s0, $0x0;
	_ =	strace $0x9000004A  }
0x45: {  	s0 =	sadd.s32 @!p0 $0x100000, s1;
	[bflag:$0x2] =	sbarrier.arrive $0xFFFF  }
0x46: {  	[sflag:s0] =	ssyncadd.tile.s32 @!p0 $0x1;
	_ =	shalt  }
.Lfunc_end2:
_tile_overlayer_lowered:
.L_overlay_start_2:
0x47: {  	(tag) =	ssettag $0x2  }
0x48: {  	s0 =	rddreg [dreg:$0x0];
	s2 =	stileid.u32  }
0x49: {  	s1 =	rddreg [dreg:$0x1];
	p0 =	sne.s32 s2, $0x0  }
0x4a: {  	s3 =	rddreg [dreg:$0x2];
	[bflag:$0x3] =	sbarrier.arrive $0xFFFF;
	s2 =	simm.s32 @!p0 $0x1C02  }
0x4b: {  	[timem:s3], [sflag:s2] =	dma.local @!p0 [hbm:s0], s1  }
0x4c: {  	s0 =	simm.s32 @!p0 $0x2  }
0x4d: {  	_ =	swait.ge @!p0 [sflag:s0], s1  }
0x4e: {  	s1 =	ssub.s32 @!p0 $0x0, s1;
	[sflag:s0] =	ssyncset.done @!p0 $0x0  }
0x4f: {  	[sflag:s0] =	ssyncadd.s32 @!p0 s1  }
0x50: {  	[bflag:$0x3] =	sbarrier.arrive $0xFFFF  }
0x51: {  	_ =	shalt  }

// kernel: kernel.17.cloned.1.call-start
scs
__scs_entry_jumppad:
0x0: {  	(pc) =	sbr.rel $0x88, $3  }
0x1: {  	(tag) =	ssettag $0x0;
	lr =	simm.s32 $0x1  }
0x2: {  	[smem:$0x3F97] =	sst lr;
	_ =	strace $0xD0000000  }
0x3: {  	_ = 	snop  }
0x4: {  	_ = 	snop  }
0x5: {  	_ = 	snop  }
0x6: {  	_ = 	snop  }
0x7: {  	_ = 	snop  }
__scs_overlays_trampoline_lowered:
0x8: {  	[smem:$0x3FA6] =	sst s0  }
0x9: {  	[smem:$0x3FA7] =	sst s1  }
0xa: {  	[smem:$0x3FA8] =	sst s2  }
0xb: {  	[smem:$0x3FA9] =	sst s3  }
0xc: {  	[smem:$0x3FAA] =	sst s4  }
0xd: {  	[smem:$0x3FAB] =	sst s5  }
0xe: {  	[smem:$0x3FAC] =	sst s6  }
0xf: {  	[smem:$0x3FAD] =	sst s7  }
0x10: {  	[smem:$0x3FAE] =	sst s8  }
0x11: {  	[smem:$0x3FAF] =	sst s9;
	s0 =	simm.s32 @!p0 $0x0  }
0x12: {  	s1 =	sld [smem:$0x3F95];
	s0 =	simm.s32 @p0 $0x1  }
0x13: {  	[smem:$0x3FB0] =	sst s0;
	s0 =	simm.s32 @!p1 $0x0  }
0x14: {  	s2 =	sld [smem:$0x3F94];
	s0 =	simm.s32 @p1 $0x1  }
0x15: {  	[smem:$0x3FB1] =	sst s0;
	s0 =	simm.s32 @!p2 $0x0  }
0x16: {  	s3 =	sld [smem:$0x3FDB];
	s0 =	simm.s32 @p2 $0x1  }
0x17: {  	s4 =	simm.s32 $0x1BF5;
	[smem:$0x3FB3] =	sst s0  }
0x18: {  	s0 =	sld [smem:$0x3F96];
	_ =	swait.ge [sflag:s4], $0x0  }
0x19: {  	s7 =	sld [smem:$0x3F97]  }
0x1a: {  	s8 =	sadd.s32 $0xFFFFE003, lr  }
0x1b: {  	s9 =	sadd.s32 $0xFFFFFEF7, lr;
	s5 =	simm.s32 $0xFFFFFFFF;
	p2 =	slt.u32 s8, $0xFFFFF086  }
0x1c: {  	p1 =	slt.u32 s9, $0xF7A;
	s5 =	simm.s32 @!p2 $0x0  }
0x1d: {  	s5 =	simm.s32 @p1 $0x1;
	p0 =	seq.s32 s7, s2  }
0x1e: {  	s7 =	smul.u32 @!p0 $0xF7A, s2;
	p2 =	seq.s32 @!p0 s5, $0x0  }
0x1f: {  	s9 =	smul.u32 $0xF7A, s1;
	s8 =	simm.s32 @!p0 $0x1BF5;
	p2 =	por !p2, p0  }
0x20: {  	[sflag:s8] =	ssyncset.s32 @!p0 $0xFFFFF086;
	s6 =	sadd.s32 @!p0 s3, s7;
	s7 =	simm.s32 @!p0 $0x108  }
0x21: {  	s3 =	sadd.s32 s3, s9;
	s6 =	sadd.s32 @!p0 $0x88, s6;
	s7 =	simm.s32 @p2 $0x1082  }
0x22: {  	[simem:s7], [sflag:s8] =	dma.local @!p0 [hbm:s6], $0xF7A  }
0x23: {  	s9 =	sor.u32 $0xD0000000, s2;
	s6 =	simm.s32 $0x108;
	_ =	swait.ge @!p0 [sflag:s8], $0x0  }
0x24: {  	s3 =	sadd.s32 $0x88, s3;
	s6 =	simm.s32 @!p1 $0x1082;
	[sflag:s4] =	ssyncset.s32 $0xFFFFF086  }
0x25: {  	[simem:s6], [sflag:s4] =	dma.local [hbm:s3], $0xF7A  }
0x26: {  	[smem:$0x3F97] =	sst s1;
	(tag) =	ssettag s2;
	_ =	strace s9  }
0x27: {  	s1 =	sld [smem:$0x3FA7]  }
0x28: {  	s2 =	sld [smem:$0x3FA8]  }
0x29: {  	s4 =	sld [smem:$0x3FAA]  }
0x2a: {  	p0 =	seq.s32 s5, $0x0;
	s5 =	sld [smem:$0x3FAB]  }
0x2b: {  	s6 =	sld [smem:$0x3FAC]  }
0x2c: {  	s7 =	sld [smem:$0x3FAD]  }
0x2d: {  	s3 =	simm.s32 $0x108;
	s8 =	sld [smem:$0x3FAE]  }
0x2e: {  	s3 =	simm.s32 @!p0 $0x1082;
	s9 =	sld [smem:$0x3FAF]  }
0x2f: {  	lr =	sadd.s32 s0, s3;
	s0 =	sld [smem:$0x3FA6]  }
0x30: {  	s3 =	sld [smem:$0x3FA9]  }
0x31: {  	[smem:$0x3FB2] =	sst s10  }
0x32: {  	s10 =	sld [smem:$0x3FB0];
	_ =	sdelay $0x3  }
0x33: {  	p0 =	seq.s32 s10, $0x1;
	s10 =	sld [smem:$0x3FB2];
	_ =	sdelay $0x3  }
0x34: {  	[smem:$0x3FB2] =	sst s10  }
0x35: {  	s10 =	sld [smem:$0x3FB1];
	_ =	sdelay $0x3  }
0x36: {  	p1 =	seq.s32 s10, $0x1;
	s10 =	sld [smem:$0x3FB2];
	_ =	sdelay $0x3  }
0x37: {  	[smem:$0x3FB2] =	sst s10  }
0x38: {  	s10 =	sld [smem:$0x3FB3]  }
0x39: {  	_ = 	snop;
	(pc) =	sbr.ind lr, $3  }
0x3a: {  	_ = 	snop  }
0x3b: {  	_ = 	snop  }
0x3c: {  	p2 =	seq.s32 s10, $0x1;
	s10 =	sld [smem:$0x3FB2]  }
0x3d: {  	_ =	shalt  }
0x3e: {  	_ =	shalt  }
0x3f: {  	_ =	shalt  }
0x40: {  	_ =	shalt  }
0x41: {  	_ =	shalt  }
0x42: {  	_ =	shalt  }
0x43: {  	_ =	shalt  }
0x44: {  	_ =	shalt  }
0x45: {  	_ =	shalt  }
0x46: {  	_ =	shalt  }
0x47: {  	_ =	shalt  }
0x48: {  	_ =	shalt  }
0x49: {  	_ =	shalt  }
0x4a: {  	_ =	shalt  }
0x4b: {  	_ =	shalt  }
0x4c: {  	_ =	shalt  }
0x4d: {  	_ =	shalt  }
0x4e: {  	_ =	shalt  }
0x4f: {  	_ =	shalt  }
0x50: {  	_ =	shalt  }
0x51: {  	_ =	shalt  }
0x52: {  	_ =	shalt  }
0x53: {  	_ =	shalt  }
0x54: {  	_ =	shalt  }
0x55: {  	_ =	shalt  }
0x56: {  	_ =	shalt  }
0x57: {  	_ =	shalt  }
0x58: {  	_ =	shalt  }
0x59: {  	_ =	shalt  }
0x5a: {  	_ =	shalt  }
0x5b: {  	_ =	shalt  }
0x5c: {  	_ =	shalt  }
0x5d: {  	_ =	shalt  }
0x5e: {  	_ =	shalt  }
0x5f: {  	_ =	shalt  }
0x60: {  	_ =	shalt  }
0x61: {  	_ =	shalt  }
0x62: {  	_ =	shalt  }
0x63: {  	_ =	shalt  }
0x64: {  	_ =	shalt  }
0x65: {  	_ =	shalt  }
0x66: {  	_ =	shalt  }
0x67: {  	_ =	shalt  }
0x68: {  	_ =	shalt  }
0x69: {  	_ =	shalt  }
0x6a: {  	_ =	shalt  }
0x6b: {  	_ =	shalt  }
0x6c: {  	_ =	shalt  }
0x6d: {  	_ =	shalt  }
0x6e: {  	_ =	shalt  }
0x6f: {  	_ =	shalt  }
0x70: {  	_ =	shalt  }
0x71: {  	_ =	shalt  }
0x72: {  	_ =	shalt  }
0x73: {  	_ =	shalt  }
0x74: {  	_ =	shalt  }
0x75: {  	_ =	shalt  }
0x76: {  	_ =	shalt  }
0x77: {  	_ =	shalt  }
0x78: {  	_ =	shalt  }
0x79: {  	_ =	shalt  }
0x7a: {  	_ =	shalt  }
0x7b: {  	_ =	shalt  }
0x7c: {  	_ =	shalt  }
0x7d: {  	_ =	shalt  }
0x7e: {  	_ =	shalt  }
0x7f: {  	_ =	shalt  }
0x80: {  	_ =	shalt  }
0x81: {  	_ =	shalt  }
0x82: {  	_ =	shalt  }
0x83: {  	_ =	shalt  }
0x84: {  	_ =	shalt  }
0x85: {  	_ =	shalt  }
0x86: {  	_ =	shalt  }
0x87: {  	_ =	shalt  }
.Lfunc_end0:
.L_simem_size_0:
called_computation.2_lowered:
.L_overlay_start_0:
0x88: {  	s2 =	sld [smem:$0x3FD9]  }
0x89: {  	s3 =	sld [smem:$0x3FFE];
	_ =	sdelay $0x1  }
0x8a: {  	s1 =	srdreg.scid  }
0x8b: {  	s0 =	sand.u32 $0x1, s1  }
0x8c: {  	s16 =	sshll.u32 s0, $0xA;
	s2 =	sadd.s32 s3, s2  }
0x8d: {  	s2 =	sadd.s32 s2, s16  }
0x8e: {  	[smem:$0x3FBE] =	sst s2  }
0x8f: {  	_ = 	snop  }
0x90: {  	(tm) =	ssettm $0x1  }
0x91: {  	s17 =	sld [smem:$0x3FFB];
	_ =	sdelay $0x3  }
0x92: {  	_ =	strace s17  }
0x93: {  	s2 =	sld [smem:$0x3FFC];
	_ =	sdelay $0x3  }
0x94: {  	_ =	strace s2  }
0x95: {  	s2 =	sld [smem:$0x3FFD];
	_ =	sdelay $0x3  }
0x96: {  	_ =	strace s2  }
0x97: {  	_ =	strace $0x8FFFFFFF  }
0x98: {  	s18 =	sld [smem:$0x3FDB];
	_ =	sdelay $0x1  }
0x99: {  	s19 =	simm.s32 $_scs_section_size  }
0x9a: {  	s4 =	simm.s32 $_size__tile_overlayer_lowered;
	s5 =	simm.s32 $_tile_overlayer_lowered  }
0x9b: {  	s22 =	simm.s32 $0x1BFF;
	s21 =	sshll.u32 s5, $0x1;
	s2 =	sadd.s32 s19, s18  }
0x9c: {  	s6 =	simm.s32 $0x0;
	s20 =	sshll.u32 s4, $0x1;
	s4 =	sadd.s32 s21, s2  }
0x9d: {  	[timem:s6], [sflag:s22] =	dma.local [hbm:s4], s20  }
0x9e: {  	_ =	swait.ge [sflag:s22], s20  }
0x9f: {  	s3 =	ssub.s32 $0x0, s20;
	[sflag:s22] =	ssyncset.done $0x0  }
0xa0: {  	[sflag:s22] =	ssyncadd.s32 s3;
	_ =	sdelay $0x1  }
0xa1: {  	s23 =	simm.s32 $0x1B8B  }
0xa2: {  	_ =	swait.ge [sflag:s23], $0x1  }
0xa3: {  	[sflag:s23] =	ssyncset.done $0x0  }
0xa4: {  	s25 =	simm.s32 $0x1B8E;
	s24 =	sld [smem:$0x3FFE];
	[sflag:s23] =	ssyncadd.s32 $0xFFFFFFFF  }
0xa5: {  	s26 =	simm.s32 $execute0_lowered;
	[smem:$0x3FD2] =	sst s25  }
0xa6: {  	s4 =	sshll.u32 s26, $0x1;
	_ =	strace $0x8000004C;
	[dreg:$0x1] =	wrdreg $0xFFFFFFFF  }
0xa7: {  	s28 =	simm.s32 $_size_execute0_lowered;
	s2 =	sadd.s32 s2, s4;
	[dreg:$0x0] =	wrdreg $0x0  }
0xa8: {  	s4 =	sshll.u32 s28, $0x1;
	[dreg:$0x2] =	wrdreg s2  }
0xa9: {  	[dreg:$0x3] =	wrdreg s4  }
0xaa: {  	[dreg:$0x4] =	wrdreg $0xC0  }
0xab: {  	_ =	task [dreg:s6], $0x5FFFF  }
0xac: {  	[dreg:$0x1] =	wrdreg $0xFFFFFFFF  }
0xad: {  	[dreg:$0x0] =	wrdreg $0x60  }
0xae: {  	[dreg:$0x2] =	wrdreg s24  }
0xaf: {  	[dreg:$0x3] =	wrdreg $0x0  }
0xb0: {  	[dreg:$0x4] =	wrdreg $0x9  }
0xb1: {  	_ =	task.clear_ibuf [dreg:s6], $0x5FFFF;
	_ =	strace $0x9000004C  }
0xb2: {  	s29 =	simm.s32 $0x9;
	_ =	strace $0x8000004E  }
0xb3: {  	_ =	swait.ge [sflag:s29], $0x1  }
0xb4: {  	[sflag:s29] =	ssyncadd.s32 $0xFFFFFFFF  }
0xb5: {  	_ =	strace $0x9000004E  }
0xb6: {  	_ =	sfence  }
0xb7: {  	s30 =	sld [smem:$0x0];
	_ =	sdelay $0x2  }
0xb8: {  	s31 =	sshll.u32 s1, $0xD;
	s1 =	sshrl.u32 s1, $0x2  }
0xb9: {  	s3 =	sand.u32 $0x4000, s31;
	s1 =	sadd.s32 s1, s30  }
0xba: {  	s0 =	sor.u32 s3, s0;
	s1 =	sshll.u32 s1, $0x11  }
0xbb: {  	s0 =	sor.u32 s1, s0  }
0xbc: {  	s0 =	sadd.s32 $0x8F2B, s0  }
0xbd: {  	[sflag:s0] =	ssyncadd.remote.s32 $0x1  }
0xbe: {  	_ =	sfence.sel $0xFFFF  }
0xbf: {  	[dreg:$0x0] =	wrdreg $0xFFFFFFFF;
	(pc) =	sbr.abs _section_cstart, $3  }
0xc0: {  	[dreg:$0x1] =	wrdreg $0xFFFFFFFF  }
0xc1: {  	_ =	task.clear_ibuf [dreg:s6], $0x2FFFF;
	_ =	strace $0x9FFFFFFF  }
0xc2: {  	(tm) =	ssettm $0x7FFFFFFF  }
0xc3: {  	_ =	shalt  }
tec
execute0_lowered:
.L_overlay_start_1:
0x0: {  	(tag) =	ssettag $0x1  }
0x1: {  	s5 =	rddreg [dreg:$0x0]  }
0x2: {  	s0 =	srdreg.scid;
	s2 =	rddreg [dreg:$0x1]  }
0x3: {  	s1 =	rddreg [dreg:$0x2];
	s6 =	sand.u32 $0x1, s0  }
0x4: {  	s3 =	simm.s32 $0x0;
	s0 =	stileid.u32;
	s4 =	smul.u32 $0xFFFF9C40, s6  }
0x5: {  	s15 =	simm.s32 $0x14000;
	s16 =	simm.s32 $0x14080;
	s7 =	smul.u32 $0x9C4, s0  }
0x6: {  	s17 =	simm.s32 $0x80;
	s18 =	simm.s32 $0x14100;
	s22 =	smul.u32 $0x14000, s0  }
0x7: {  	s19 =	simm.s32 $0x1;
	[smem:$0x7FF] =	sst s3;
	s9 =	smul.u32 $0x140000, s6  }
0x8: {  	s20 =	simm.s32 $0x0;
	_ =	strace $0x8000004D;
	s24 =	smul.u32 $0x50000, s0  }
0x9: {  	s25 =	sshll.u32 s6, $0x4;
	s26 =	ssub.s32 $0x2, s6;
	s30 =	sshll.u32 s0, $0x6  }
0xa: {  	s28 =	sor.u32 s0, s25;
	s29 =	sshrl.u32 s26, $0x1;
	s6 =	sor.u32 $0x1C02, s30  }
0xb: {  	s4 =	sand.u32 $0xFFC0, s4;
	s10 =	sshrl.u32 s22, $0x3;
	s13 =	ssub.s32 s26, s29  }
0xc: {  	s4 =	sadd.s32 s7, s4;
	s23 =	sadd.s32 s10, s5;
	s7 =	sadd.s32 s22, s9  }
0xd: {  	s9 =	sshrl.u32 s24, $0x2;
	s10 =	smul.u32 $0x9C4, s28;
	s8 =	sshrl.u32 s4, $0x1  }
0xe: {  	s4 =	sadd.s32 $0x8F200, s5;
	s7 =	sshrl.u32 s7, $0x3;
	s14 =	sadd.s32 s9, s2  }
.Ltmp0:
0xf: {  	s8 =	sand.u32 $0xFFF0, s8;
	s11 =	sadd.s32 s7, s5;
	(pc) =	sbr.rel .LBB2_1-.Ltmp0, $4  }
0x10: {  	s31 =	sadd.s32 $0x9C4, s10;
	s7 =	sshrl.u32 s10, $0x5;
	s10 =	smax.u32 s13, $0x1  }
0x11: {  	s13 =	sshrl.u32 s14, $0x3;
	s14 =	simm.s32 $0x2;
	s12 =	sadd.s32 s8, s5  }
0x12: {  	s5 =	sadd.s32 $0x17200, s23;
	s8 =	sshrl.u32 s31, $0x5;
	s9 =	sadd.s32 $0xB6400, s11  }
0x13: {  	s11 =	sadd.s32 $0x3600, s12;
	s12 =	sadd.s32 $0xD400, s12;
	p0 =	sge.u32 s7, s8  }
.LBB2_4:
0x14: {  	[sflag:s14] =	ssyncadd.s32 $0xFFFFC000  }
.LBB2_5:
0x15: {  	s20 =	sadd.s32 $0x1, s20  }
0x16: {  	p1 =	sne.s32 s20, s10  }
.Ltmp1:
0x17: {  	[bflag:$0x0] =	sbarrier.arrive $0xFFFF;
	(pc) =	sbr.rel @!p1 .LBB2_6-.Ltmp1, $4  }
0x18: {  	[hbm:s9], [sflag:s6] =	dma.local [spmem:s13], $0x2800  }
0x19: {  	_ =	swait.ge [sflag:s14], $0x2800  }
0x1a: {  	[sflag:s14] =	ssyncset.done $0x0  }
0x1b: {  	[sflag:s14] =	ssyncadd.s32 $0xFFFFD800  }
.LBB2_1:
0x1c: {  	[spmem:s13], [sflag:s6] =	dma.local [hbm:s5], $0x2800  }
.Ltmp2:
0x1d: {  	_ =	swait.ge [sflag:s14], $0x2800;
	(pc) =	sbr.rel @p0 .LBB2_5-.Ltmp2, $3  }
0x1e: {  	[sflag:s14] =	ssyncset.done $0x0  }
0x1f: {  	[sflag:s14] =	ssyncadd.s32 $0xFFFFD800  }
0x20: {  	[bflag:$0x0] =	sbarrier.arrive $0xFFFF;
	_ =	sdelay $0x1  }
0x21: {  	[tilespmem:s15], [sflag:$0x2] =	stream.linear.gather [hbm4b:s12+s3], $0x80, $0x38;
	[tilespmem:$0x18100] =	vst v63  }
0x22: {  	_ =	swait.ge [sflag:s14], $0x80  }
0x23: {  	[sflag:s14] =	ssyncset.done $0x0  }
0x24: {  	[sflag:s14] =	ssyncadd.s32 $0xFFFFFF80  }
0x25: {  	[tilespmem:s16], [sflag:$0x2] =	stream.linear.gather [hbm4b:s11+s3], $0x80, $0x38;
	[tilespmem:$0x18100] =	vst v63  }
0x26: {  	_ =	swait.ge [sflag:s14], $0x80  }
0x27: {  	[sflag:s14] =	ssyncset.done $0x0  }
0x28: {  	s21 =	sadd.s32 $0x1, s7;
	[sflag:s14] =	ssyncadd.s32 $0xFFFFFF80  }
0x29: {  	[tilespmem:s18], [sflag:$0x1] =	stream.indirect.gather [hbm4b:s4+s17], $0x80, s15, s17, $0xb8;
	[tilespmem:$0x18100] =	vst v63  }
0x2a: {  	p1 =	slt.u32 s21, s8;
	_ =	swait.ge [sflag:s19], $0x4000  }
.Ltmp3:
0x2b: {  	[sflag:s19] =	ssyncset.done $0x0;
	(pc) =	sbr.rel @!p1 .LBB2_4-.Ltmp3, $4  }
0x2c: {  	[sflag:s19] =	ssyncadd.s32 $0xFFFFC000  }
0x2d: {  	[spmem:s2] =	stream.indirect.scatter.add.f32 [tilespmem:s18], [sflag:$0x2], $0x80, s16, s17, $0xb8;
	[tilespmem:$0x18100] =	vst v63  }
0x2e: {  	_ =	swait.ge [sflag:s14], $0x4000  }
0x2f: {  	s22 =	sadd.s32 $0x10, s12;
	s23 =	smov.u32 s11;
	[sflag:s14] =	ssyncset.done $0x0  }
.LBB2_3:
0x30: {  	s21 =	sadd.s32 $0x1, s21;
	[sflag:s14] =	ssyncadd.s32 $0xFFFFC000;
	s23 =	sadd.s32 $0x10, s23  }
0x31: {  	[tilespmem:s15], [sflag:$0x2] =	stream.linear.gather [hbm4b:s22+s3], $0x80, $0x38;
	[tilespmem:$0x18100] =	vst v63  }
0x32: {  	p1 =	slt.u32 s21, s8;
	_ =	swait.ge [sflag:s14], $0x80  }
0x33: {  	[sflag:s14] =	ssyncset.done $0x0  }
0x34: {  	[sflag:s14] =	ssyncadd.s32 $0xFFFFFF80  }
0x35: {  	[tilespmem:s16], [sflag:$0x2] =	stream.linear.gather [hbm4b:s23+s3], $0x80, $0x38;
	[tilespmem:$0x18100] =	vst v63  }
0x36: {  	_ =	swait.ge [sflag:s14], $0x80  }
0x37: {  	[sflag:s14] =	ssyncset.done $0x0  }
0x38: {  	[sflag:s14] =	ssyncadd.s32 $0xFFFFFF80  }
0x39: {  	[tilespmem:s18], [sflag:$0x1] =	stream.indirect.gather [hbm4b:s4+s17], $0x80, s15, s17, $0xb8;
	[tilespmem:$0x18100] =	vst v63  }
0x3a: {  	_ =	swait.ge [sflag:s19], $0x4000  }
.Ltmp4:
0x3b: {  	[sflag:s19] =	ssyncset.done $0x0;
	(pc) =	sbr.rel @p1 .LBB2_3-.Ltmp4, $4  }
0x3c: {  	[sflag:s19] =	ssyncadd.s32 $0xFFFFC000  }
0x3d: {  	[spmem:s2] =	stream.indirect.scatter.add.f32 [tilespmem:s18], [sflag:$0x2], $0x80, s16, s17, $0xb8;
	[tilespmem:$0x18100] =	vst v63  }
0x3e: {  	_ =	swait.ge [sflag:s14], $0x4000  }
0x3f: {  	s22 =	sadd.s32 $0x10, s22;
	[sflag:s14] =	ssyncset.done $0x0  }
.Ltmp5:
0x40: {  	_ = 	snop;
	(pc) =	sbr.rel .LBB2_4-.Ltmp5, $1  }
0x41: {  	_ =	sdelay $0x3  }
.LBB2_6:
0x42: {  	_ =	sfence.sel $0x180000  }
0x43: {  	[bflag:$0x0] =	sbarrier.arrive $0xFFFF  }
0x44: {  	p0 =	sne.s32 s0, $0x0;
	_ =	strace $0x9000004D  }
0x45: {  	s0 =	sadd.s32 @!p0 $0x100000, s1;
	[bflag:$0x2] =	sbarrier.arrive $0xFFFF  }
0x46: {  	[sflag:s0] =	ssyncadd.tile.s32 @!p0 $0x1;
	_ =	shalt  }
.Lfunc_end2:
_tile_overlayer_lowered:
.L_overlay_start_2:
0x47: {  	(tag) =	ssettag $0x2  }
0x48: {  	s0 =	rddreg [dreg:$0x0];
	s2 =	stileid.u32  }
0x49: {  	s1 =	rddreg [dreg:$0x1];
	p0 =	sne.s32 s2, $0x0  }
0x4a: {  	s3 =	rddreg [dreg:$0x2];
	[bflag:$0x3] =	sbarrier.arrive $0xFFFF;
	s2 =	simm.s32 @!p0 $0x1C02  }
0x4b: {  	[timem:s3], [sflag:s2] =	dma.local @!p0 [hbm:s0], s1  }
0x4c: {  	s0 =	simm.s32 @!p0 $0x2  }
0x4d: {  	_ =	swait.ge @!p0 [sflag:s0], s1  }
0x4e: {  	s1 =	ssub.s32 @!p0 $0x0, s1;
	[sflag:s0] =	ssyncset.done @!p0 $0x0  }
0x4f: {  	[sflag:s0] =	ssyncadd.s32 @!p0 s1  }
0x50: {  	[bflag:$0x3] =	sbarrier.arrive $0xFFFF  }
0x51: {  	_ =	shalt  }

// kernel: kernel.20.cloned.1.call-start
scs
__scs_entry_jumppad:
0x0: {  	(pc) =	sbr.rel $0x88, $3  }
0x1: {  	(tag) =	ssettag $0x0;
	lr =	simm.s32 $0x1  }
0x2: {  	[smem:$0x3F97] =	sst lr;
	_ =	strace $0xD0000000  }
0x3: {  	_ = 	snop  }
0x4: {  	_ = 	snop  }
0x5: {  	_ = 	snop  }
0x6: {  	_ = 	snop  }
0x7: {  	_ = 	snop  }
__scs_overlays_trampoline_lowered:
0x8: {  	[smem:$0x3FA6] =	sst s0  }
0x9: {  	[smem:$0x3FA7] =	sst s1  }
0xa: {  	[smem:$0x3FA8] =	sst s2  }
0xb: {  	[smem:$0x3FA9] =	sst s3  }
0xc: {  	[smem:$0x3FAA] =	sst s4  }
0xd: {  	[smem:$0x3FAB] =	sst s5  }
0xe: {  	[smem:$0x3FAC] =	sst s6  }
0xf: {  	[smem:$0x3FAD] =	sst s7  }
0x10: {  	[smem:$0x3FAE] =	sst s8  }
0x11: {  	[smem:$0x3FAF] =	sst s9;
	s0 =	simm.s32 @!p0 $0x0  }
0x12: {  	s1 =	sld [smem:$0x3F95];
	s0 =	simm.s32 @p0 $0x1  }
0x13: {  	[smem:$0x3FB0] =	sst s0;
	s0 =	simm.s32 @!p1 $0x0  }
0x14: {  	s2 =	sld [smem:$0x3F94];
	s0 =	simm.s32 @p1 $0x1  }
0x15: {  	[smem:$0x3FB1] =	sst s0;
	s0 =	simm.s32 @!p2 $0x0  }
0x16: {  	s3 =	sld [smem:$0x3FDB];
	s0 =	simm.s32 @p2 $0x1  }
0x17: {  	s4 =	simm.s32 $0x1BF5;
	[smem:$0x3FB3] =	sst s0  }
0x18: {  	s0 =	sld [smem:$0x3F96];
	_ =	swait.ge [sflag:s4], $0x0  }
0x19: {  	s7 =	sld [smem:$0x3F97]  }
0x1a: {  	s8 =	sadd.s32 $0xFFFFE003, lr  }
0x1b: {  	s9 =	sadd.s32 $0xFFFFFEF7, lr;
	s5 =	simm.s32 $0xFFFFFFFF;
	p2 =	slt.u32 s8, $0xFFFFF086  }
0x1c: {  	p1 =	slt.u32 s9, $0xF7A;
	s5 =	simm.s32 @!p2 $0x0  }
0x1d: {  	s5 =	simm.s32 @p1 $0x1;
	p0 =	seq.s32 s7, s2  }
0x1e: {  	s7 =	smul.u32 @!p0 $0xF7A, s2;
	p2 =	seq.s32 @!p0 s5, $0x0  }
0x1f: {  	s9 =	smul.u32 $0xF7A, s1;
	s8 =	simm.s32 @!p0 $0x1BF5;
	p2 =	por !p2, p0  }
0x20: {  	[sflag:s8] =	ssyncset.s32 @!p0 $0xFFFFF086;
	s6 =	sadd.s32 @!p0 s3, s7;
	s7 =	simm.s32 @!p0 $0x108  }
0x21: {  	s3 =	sadd.s32 s3, s9;
	s6 =	sadd.s32 @!p0 $0x88, s6;
	s7 =	simm.s32 @p2 $0x1082  }
0x22: {  	[simem:s7], [sflag:s8] =	dma.local @!p0 [hbm:s6], $0xF7A  }
0x23: {  	s9 =	sor.u32 $0xD0000000, s2;
	s6 =	simm.s32 $0x108;
	_ =	swait.ge @!p0 [sflag:s8], $0x0  }
0x24: {  	s3 =	sadd.s32 $0x88, s3;
	s6 =	simm.s32 @!p1 $0x1082;
	[sflag:s4] =	ssyncset.s32 $0xFFFFF086  }
0x25: {  	[simem:s6], [sflag:s4] =	dma.local [hbm:s3], $0xF7A  }
0x26: {  	[smem:$0x3F97] =	sst s1;
	(tag) =	ssettag s2;
	_ =	strace s9  }
0x27: {  	s1 =	sld [smem:$0x3FA7]  }
0x28: {  	s2 =	sld [smem:$0x3FA8]  }
0x29: {  	s4 =	sld [smem:$0x3FAA]  }
0x2a: {  	p0 =	seq.s32 s5, $0x0;
	s5 =	sld [smem:$0x3FAB]  }
0x2b: {  	s6 =	sld [smem:$0x3FAC]  }
0x2c: {  	s7 =	sld [smem:$0x3FAD]  }
0x2d: {  	s3 =	simm.s32 $0x108;
	s8 =	sld [smem:$0x3FAE]  }
0x2e: {  	s3 =	simm.s32 @!p0 $0x1082;
	s9 =	sld [smem:$0x3FAF]  }
0x2f: {  	lr =	sadd.s32 s0, s3;
	s0 =	sld [smem:$0x3FA6]  }
0x30: {  	s3 =	sld [smem:$0x3FA9]  }
0x31: {  	[smem:$0x3FB2] =	sst s10  }
0x32: {  	s10 =	sld [smem:$0x3FB0];
	_ =	sdelay $0x3  }
0x33: {  	p0 =	seq.s32 s10, $0x1;
	s10 =	sld [smem:$0x3FB2];
	_ =	sdelay $0x3  }
0x34: {  	[smem:$0x3FB2] =	sst s10  }
0x35: {  	s10 =	sld [smem:$0x3FB1];
	_ =	sdelay $0x3  }
0x36: {  	p1 =	seq.s32 s10, $0x1;
	s10 =	sld [smem:$0x3FB2];
	_ =	sdelay $0x3  }
0x37: {  	[smem:$0x3FB2] =	sst s10  }
0x38: {  	s10 =	sld [smem:$0x3FB3]  }
0x39: {  	_ = 	snop;
	(pc) =	sbr.ind lr, $3  }
0x3a: {  	_ = 	snop  }
0x3b: {  	_ = 	snop  }
0x3c: {  	p2 =	seq.s32 s10, $0x1;
	s10 =	sld [smem:$0x3FB2]  }
0x3d: {  	_ =	shalt  }
0x3e: {  	_ =	shalt  }
0x3f: {  	_ =	shalt  }
0x40: {  	_ =	shalt  }
0x41: {  	_ =	shalt  }
0x42: {  	_ =	shalt  }
0x43: {  	_ =	shalt  }
0x44: {  	_ =	shalt  }
0x45: {  	_ =	shalt  }
0x46: {  	_ =	shalt  }
0x47: {  	_ =	shalt  }
0x48: {  	_ =	shalt  }
0x49: {  	_ =	shalt  }
0x4a: {  	_ =	shalt  }
0x4b: {  	_ =	shalt  }
0x4c: {  	_ =	shalt  }
0x4d: {  	_ =	shalt  }
0x4e: {  	_ =	shalt  }
0x4f: {  	_ =	shalt  }
0x50: {  	_ =	shalt  }
0x51: {  	_ =	shalt  }
0x52: {  	_ =	shalt  }
0x53: {  	_ =	shalt  }
0x54: {  	_ =	shalt  }
0x55: {  	_ =	shalt  }
0x56: {  	_ =	shalt  }
0x57: {  	_ =	shalt  }
0x58: {  	_ =	shalt  }
0x59: {  	_ =	shalt  }
0x5a: {  	_ =	shalt  }
0x5b: {  	_ =	shalt  }
0x5c: {  	_ =	shalt  }
0x5d: {  	_ =	shalt  }
0x5e: {  	_ =	shalt  }
0x5f: {  	_ =	shalt  }
0x60: {  	_ =	shalt  }
0x61: {  	_ =	shalt  }
0x62: {  	_ =	shalt  }
0x63: {  	_ =	shalt  }
0x64: {  	_ =	shalt  }
0x65: {  	_ =	shalt  }
0x66: {  	_ =	shalt  }
0x67: {  	_ =	shalt  }
0x68: {  	_ =	shalt  }
0x69: {  	_ =	shalt  }
0x6a: {  	_ =	shalt  }
0x6b: {  	_ =	shalt  }
0x6c: {  	_ =	shalt  }
0x6d: {  	_ =	shalt  }
0x6e: {  	_ =	shalt  }
0x6f: {  	_ =	shalt  }
0x70: {  	_ =	shalt  }
0x71: {  	_ =	shalt  }
0x72: {  	_ =	shalt  }
0x73: {  	_ =	shalt  }
0x74: {  	_ =	shalt  }
0x75: {  	_ =	shalt  }
0x76: {  	_ =	shalt  }
0x77: {  	_ =	shalt  }
0x78: {  	_ =	shalt  }
0x79: {  	_ =	shalt  }
0x7a: {  	_ =	shalt  }
0x7b: {  	_ =	shalt  }
0x7c: {  	_ =	shalt  }
0x7d: {  	_ =	shalt  }
0x7e: {  	_ =	shalt  }
0x7f: {  	_ =	shalt  }
0x80: {  	_ =	shalt  }
0x81: {  	_ =	shalt  }
0x82: {  	_ =	shalt  }
0x83: {  	_ =	shalt  }
0x84: {  	_ =	shalt  }
0x85: {  	_ =	shalt  }
0x86: {  	_ =	shalt  }
0x87: {  	_ =	shalt  }
.Lfunc_end0:
.L_simem_size_0:
called_computation.3_lowered:
.L_overlay_start_0:
0x88: {  	s2 =	sld [smem:$0x3FD9]  }
0x89: {  	s3 =	sld [smem:$0x3FFE];
	_ =	sdelay $0x1  }
0x8a: {  	s1 =	srdreg.scid  }
0x8b: {  	s0 =	sand.u32 $0x1, s1  }
0x8c: {  	s16 =	sshll.u32 s0, $0xA;
	s2 =	sadd.s32 s3, s2  }
0x8d: {  	s2 =	sadd.s32 s2, s16  }
0x8e: {  	[smem:$0x3FBE] =	sst s2  }
0x8f: {  	_ = 	snop  }
0x90: {  	(tm) =	ssettm $0x1  }
0x91: {  	s17 =	sld [smem:$0x3FFB];
	_ =	sdelay $0x3  }
0x92: {  	_ =	strace s17  }
0x93: {  	s2 =	sld [smem:$0x3FFC];
	_ =	sdelay $0x3  }
0x94: {  	_ =	strace s2  }
0x95: {  	s2 =	sld [smem:$0x3FFD];
	_ =	sdelay $0x3  }
0x96: {  	_ =	strace s2  }
0x97: {  	_ =	strace $0x8FFFFFFF  }
0x98: {  	s18 =	sld [smem:$0x3FDB];
	_ =	sdelay $0x1  }
0x99: {  	s19 =	simm.s32 $_scs_section_size  }
0x9a: {  	s4 =	simm.s32 $_size__tile_overlayer_lowered;
	s5 =	simm.s32 $_tile_overlayer_lowered  }
0x9b: {  	s22 =	simm.s32 $0x1BFF;
	s21 =	sshll.u32 s5, $0x1;
	s2 =	sadd.s32 s19, s18  }
0x9c: {  	s6 =	simm.s32 $0x0;
	s20 =	sshll.u32 s4, $0x1;
	s4 =	sadd.s32 s21, s2  }
0x9d: {  	[timem:s6], [sflag:s22] =	dma.local [hbm:s4], s20  }
0x9e: {  	_ =	swait.ge [sflag:s22], s20  }
0x9f: {  	s3 =	ssub.s32 $0x0, s20;
	[sflag:s22] =	ssyncset.done $0x0  }
0xa0: {  	[sflag:s22] =	ssyncadd.s32 s3;
	_ =	sdelay $0x1  }
0xa1: {  	s23 =	simm.s32 $0x1B8B  }
0xa2: {  	_ =	swait.ge [sflag:s23], $0x1  }
0xa3: {  	[sflag:s23] =	ssyncset.done $0x0  }
0xa4: {  	s25 =	simm.s32 $0x1B8E;
	s24 =	sld [smem:$0x3FFE];
	[sflag:s23] =	ssyncadd.s32 $0xFFFFFFFF  }
0xa5: {  	s26 =	simm.s32 $execute0_lowered;
	[smem:$0x3FD2] =	sst s25  }
0xa6: {  	s4 =	sshll.u32 s26, $0x1;
	_ =	strace $0x8000004F;
	[dreg:$0x1] =	wrdreg $0xFFFFFFFF  }
0xa7: {  	s28 =	simm.s32 $_size_execute0_lowered;
	s2 =	sadd.s32 s2, s4;
	[dreg:$0x0] =	wrdreg $0x0  }
0xa8: {  	s4 =	sshll.u32 s28, $0x1;
	[dreg:$0x2] =	wrdreg s2  }
0xa9: {  	[dreg:$0x3] =	wrdreg s4  }
0xaa: {  	[dreg:$0x4] =	wrdreg $0xC0  }
0xab: {  	_ =	task [dreg:s6], $0x5FFFF  }
0xac: {  	[dreg:$0x1] =	wrdreg $0xFFFFFFFF  }
0xad: {  	[dreg:$0x0] =	wrdreg $0x60  }
0xae: {  	[dreg:$0x2] =	wrdreg s24  }
0xaf: {  	[dreg:$0x3] =	wrdreg $0x0  }
0xb0: {  	[dreg:$0x4] =	wrdreg $0x9  }
0xb1: {  	_ =	task.clear_ibuf [dreg:s6], $0x5FFFF;
	_ =	strace $0x9000004F  }
0xb2: {  	s29 =	simm.s32 $0x9;
	_ =	strace $0x80000051  }
0xb3: {  	_ =	swait.ge [sflag:s29], $0x1  }
0xb4: {  	[sflag:s29] =	ssyncadd.s32 $0xFFFFFFFF  }
0xb5: {  	_ =	strace $0x90000051  }
0xb6: {  	_ =	sfence  }
0xb7: {  	s30 =	sld [smem:$0x0];
	_ =	sdelay $0x2  }
0xb8: {  	s31 =	sshll.u32 s1, $0xD;
	s1 =	sshrl.u32 s1, $0x2  }
0xb9: {  	s3 =	sand.u32 $0x4000, s31;
	s1 =	sadd.s32 s1, s30  }
0xba: {  	s0 =	sor.u32 s3, s0;
	s1 =	sshll.u32 s1, $0x11  }
0xbb: {  	s0 =	sor.u32 s1, s0  }
0xbc: {  	s0 =	sadd.s32 $0x8F2B, s0  }
0xbd: {  	[sflag:s0] =	ssyncadd.remote.s32 $0x1  }
0xbe: {  	_ =	sfence.sel $0xFFFF  }
0xbf: {  	[dreg:$0x0] =	wrdreg $0xFFFFFFFF;
	(pc) =	sbr.abs _section_cstart, $3  }
0xc0: {  	[dreg:$0x1] =	wrdreg $0xFFFFFFFF  }
0xc1: {  	_ =	task.clear_ibuf [dreg:s6], $0x2FFFF;
	_ =	strace $0x9FFFFFFF  }
0xc2: {  	(tm) =	ssettm $0x7FFFFFFF  }
0xc3: {  	_ =	shalt  }
tec
execute0_lowered:
.L_overlay_start_1:
0x0: {  	(tag) =	ssettag $0x1  }
0x1: {  	s5 =	rddreg [dreg:$0x0]  }
0x2: {  	s0 =	srdreg.scid;
	s2 =	rddreg [dreg:$0x1]  }
0x3: {  	s1 =	rddreg [dreg:$0x2];
	s6 =	sand.u32 $0x1, s0  }
0x4: {  	s3 =	simm.s32 $0x0;
	s0 =	stileid.u32;
	s4 =	smul.u32 $0xFFFF9C40, s6  }
0x5: {  	s15 =	simm.s32 $0x14000;
	s16 =	simm.s32 $0x14080;
	s7 =	smul.u32 $0x9C4, s0  }
0x6: {  	s17 =	simm.s32 $0x80;
	s18 =	simm.s32 $0x14100;
	s22 =	smul.u32 $0x14000, s0  }
0x7: {  	s19 =	simm.s32 $0x1;
	[smem:$0x7FF] =	sst s3;
	s9 =	smul.u32 $0x140000, s6  }
0x8: {  	s20 =	simm.s32 $0x0;
	_ =	strace $0x80000050;
	s24 =	smul.u32 $0x50000, s0  }
0x9: {  	s25 =	sshll.u32 s6, $0x4;
	s26 =	ssub.s32 $0x2, s6;
	s30 =	sshll.u32 s0, $0x6  }
0xa: {  	s28 =	sor.u32 s0, s25;
	s29 =	sshrl.u32 s26, $0x1;
	s6 =	sor.u32 $0x1C02, s30  }
0xb: {  	s4 =	sand.u32 $0xFFC0, s4;
	s10 =	sshrl.u32 s22, $0x3;
	s13 =	ssub.s32 s26, s29  }
0xc: {  	s4 =	sadd.s32 s7, s4;
	s23 =	sadd.s32 s10, s5;
	s7 =	sadd.s32 s22, s9  }
0xd: {  	s9 =	sshrl.u32 s24, $0x2;
	s10 =	smul.u32 $0x9C4, s28;
	s8 =	sshrl.u32 s4, $0x1  }
0xe: {  	s4 =	sadd.s32 $0x8F200, s5;
	s7 =	sshrl.u32 s7, $0x3;
	s14 =	sadd.s32 s9, s2  }
.Ltmp0:
0xf: {  	s8 =	sand.u32 $0xFFF0, s8;
	s11 =	sadd.s32 s7, s5;
	(pc) =	sbr.rel .LBB2_1-.Ltmp0, $4  }
0x10: {  	s31 =	sadd.s32 $0x9C4, s10;
	s7 =	sshrl.u32 s10, $0x5;
	s10 =	smax.u32 s13, $0x1  }
0x11: {  	s13 =	sshrl.u32 s14, $0x3;
	s14 =	simm.s32 $0x2;
	s12 =	sadd.s32 s8, s5  }
0x12: {  	s5 =	sadd.s32 $0x17200, s23;
	s8 =	sshrl.u32 s31, $0x5;
	s9 =	sadd.s32 $0xB6400, s11  }
0x13: {  	s11 =	sadd.s32 $0x3600, s12;
	s12 =	sadd.s32 $0xD400, s12;
	p0 =	sge.u32 s7, s8  }
.LBB2_4:
0x14: {  	[sflag:s14] =	ssyncadd.s32 $0xFFFFC000  }
.LBB2_5:
0x15: {  	s20 =	sadd.s32 $0x1, s20  }
0x16: {  	p1 =	sne.s32 s20, s10  }
.Ltmp1:
0x17: {  	[bflag:$0x0] =	sbarrier.arrive $0xFFFF;
	(pc) =	sbr.rel @!p1 .LBB2_6-.Ltmp1, $4  }
0x18: {  	[hbm:s9], [sflag:s6] =	dma.local [spmem:s13], $0x2800  }
0x19: {  	_ =	swait.ge [sflag:s14], $0x2800  }
0x1a: {  	[sflag:s14] =	ssyncset.done $0x0  }
0x1b: {  	[sflag:s14] =	ssyncadd.s32 $0xFFFFD800  }
.LBB2_1:
0x1c: {  	[spmem:s13], [sflag:s6] =	dma.local [hbm:s5], $0x2800  }
.Ltmp2:
0x1d: {  	_ =	swait.ge [sflag:s14], $0x2800;
	(pc) =	sbr.rel @p0 .LBB2_5-.Ltmp2, $3  }
0x1e: {  	[sflag:s14] =	ssyncset.done $0x0  }
0x1f: {  	[sflag:s14] =	ssyncadd.s32 $0xFFFFD800  }
0x20: {  	[bflag:$0x0] =	sbarrier.arrive $0xFFFF;
	_ =	sdelay $0x1  }
0x21: {  	[tilespmem:s15], [sflag:$0x2] =	stream.linear.gather [hbm4b:s12+s3], $0x80, $0x38;
	[tilespmem:$0x18100] =	vst v63  }
0x22: {  	_ =	swait.ge [sflag:s14], $0x80  }
0x23: {  	[sflag:s14] =	ssyncset.done $0x0  }
0x24: {  	[sflag:s14] =	ssyncadd.s32 $0xFFFFFF80  }
0x25: {  	[tilespmem:s16], [sflag:$0x2] =	stream.linear.gather [hbm4b:s11+s3], $0x80, $0x38;
	[tilespmem:$0x18100] =	vst v63  }
0x26: {  	_ =	swait.ge [sflag:s14], $0x80  }
0x27: {  	[sflag:s14] =	ssyncset.done $0x0  }
0x28: {  	s21 =	sadd.s32 $0x1, s7;
	[sflag:s14] =	ssyncadd.s32 $0xFFFFFF80  }
0x29: {  	[tilespmem:s18], [sflag:$0x1] =	stream.indirect.gather [hbm4b:s4+s17], $0x80, s15, s17, $0xb8;
	[tilespmem:$0x18100] =	vst v63  }
0x2a: {  	p1 =	slt.u32 s21, s8;
	_ =	swait.ge [sflag:s19], $0x4000  }
.Ltmp3:
0x2b: {  	[sflag:s19] =	ssyncset.done $0x0;
	(pc) =	sbr.rel @!p1 .LBB2_4-.Ltmp3, $4  }
0x2c: {  	[sflag:s19] =	ssyncadd.s32 $0xFFFFC000  }
0x2d: {  	[spmem:s2] =	stream.indirect.scatter.add.f32 [tilespmem:s18], [sflag:$0x2], $0x80, s16, s17, $0xb8;
	[tilespmem:$0x18100] =	vst v63  }
0x2e: {  	_ =	swait.ge [sflag:s14], $0x4000  }
0x2f: {  	s22 =	sadd.s32 $0x10, s12;
	s23 =	smov.u32 s11;
	[sflag:s14] =	ssyncset.done $0x0  }
.LBB2_3:
0x30: {  	s21 =	sadd.s32 $0x1, s21;
	[sflag:s14] =	ssyncadd.s32 $0xFFFFC000;
	s23 =	sadd.s32 $0x10, s23  }
0x31: {  	[tilespmem:s15], [sflag:$0x2] =	stream.linear.gather [hbm4b:s22+s3], $0x80, $0x38;
	[tilespmem:$0x18100] =	vst v63  }
0x32: {  	p1 =	slt.u32 s21, s8;
	_ =	swait.ge [sflag:s14], $0x80  }
0x33: {  	[sflag:s14] =	ssyncset.done $0x0  }
0x34: {  	[sflag:s14] =	ssyncadd.s32 $0xFFFFFF80  }
0x35: {  	[tilespmem:s16], [sflag:$0x2] =	stream.linear.gather [hbm4b:s23+s3], $0x80, $0x38;
	[tilespmem:$0x18100] =	vst v63  }
0x36: {  	_ =	swait.ge [sflag:s14], $0x80  }
0x37: {  	[sflag:s14] =	ssyncset.done $0x0  }
0x38: {  	[sflag:s14] =	ssyncadd.s32 $0xFFFFFF80  }
0x39: {  	[tilespmem:s18], [sflag:$0x1] =	stream.indirect.gather [hbm4b:s4+s17], $0x80, s15, s17, $0xb8;
	[tilespmem:$0x18100] =	vst v63  }
0x3a: {  	_ =	swait.ge [sflag:s19], $0x4000  }
.Ltmp4:
0x3b: {  	[sflag:s19] =	ssyncset.done $0x0;
	(pc) =	sbr.rel @p1 .LBB2_3-.Ltmp4, $4  }
0x3c: {  	[sflag:s19] =	ssyncadd.s32 $0xFFFFC000  }
0x3d: {  	[spmem:s2] =	stream.indirect.scatter.add.f32 [tilespmem:s18], [sflag:$0x2], $0x80, s16, s17, $0xb8;
	[tilespmem:$0x18100] =	vst v63  }
0x3e: {  	_ =	swait.ge [sflag:s14], $0x4000  }
0x3f: {  	s22 =	sadd.s32 $0x10, s22;
	[sflag:s14] =	ssyncset.done $0x0  }
.Ltmp5:
0x40: {  	_ = 	snop;
	(pc) =	sbr.rel .LBB2_4-.Ltmp5, $1  }
0x41: {  	_ =	sdelay $0x3  }
.LBB2_6:
0x42: {  	_ =	sfence.sel $0x180000  }
0x43: {  	[bflag:$0x0] =	sbarrier.arrive $0xFFFF  }
0x44: {  	p0 =	sne.s32 s0, $0x0;
	_ =	strace $0x90000050  }
0x45: {  	s0 =	sadd.s32 @!p0 $0x100000, s1;
	[bflag:$0x2] =	sbarrier.arrive $0xFFFF  }
0x46: {  	[sflag:s0] =	ssyncadd.tile.s32 @!p0 $0x1;
	_ =	shalt  }
.Lfunc_end2:
_tile_overlayer_lowered:
.L_overlay_start_2:
0x47: {  	(tag) =	ssettag $0x2  }
0x48: {  	s0 =	rddreg [dreg:$0x0];
	s2 =	stileid.u32  }
0x49: {  	s1 =	rddreg [dreg:$0x1];
	p0 =	sne.s32 s2, $0x0  }
0x4a: {  	s3 =	rddreg [dreg:$0x2];
	[bflag:$0x3] =	sbarrier.arrive $0xFFFF;
	s2 =	simm.s32 @!p0 $0x1C02  }
0x4b: {  	[timem:s3], [sflag:s2] =	dma.local @!p0 [hbm:s0], s1  }
0x4c: {  	s0 =	simm.s32 @!p0 $0x2  }
0x4d: {  	_ =	swait.ge @!p0 [sflag:s0], s1  }
0x4e: {  	s1 =	ssub.s32 @!p0 $0x0, s1;
	[sflag:s0] =	ssyncset.done @!p0 $0x0  }
0x4f: {  	[sflag:s0] =	ssyncadd.s32 @!p0 s1  }
0x50: {  	[bflag:$0x3] =	sbarrier.arrive $0xFFFF  }
0x51: {  	_ =	shalt  }

</sc_bundles>
